<compile_context>
chip_gen: v7x
topology: tpu7x:2x2x1
jax: 0.10.2.dev20260603
libtpu: 0.0.44.dev20260713+nightly
codegen_flags: <defaults>
</compile_context>

<pallas_src>
import functools
import jax
import jax.numpy as jnp
from jax import lax
from jax.experimental import pallas as pl
from jax.experimental.pallas import tpu as pltpu
from jax.experimental.pallas import tpu_sc as plsc


def kernel(x, freqs, table):
    Nt, Nf, D = x.shape
    NC, NS = 2, 16
    NW = NC * NS
    FB = Nf // NW
    CHD = FB * D
    row_stride = Nf * D
    NBUF = 4

    x_flat = x.reshape(-1)
    t_flat = table.reshape(-1)

    mesh = plsc.VectorSubcoreMesh(core_axis_name="c", subcore_axis_name="s")

    @functools.partial(
        pl.kernel,
        mesh=mesh,
        out_type=jax.ShapeDtypeStruct((Nt * Nf * D,), jnp.float32),
        scratch_types=[
            pltpu.VMEM((CHD,), jnp.float32),
            pltpu.VMEM((NBUF, CHD), jnp.float32),
            pltpu.SemaphoreType.DMA((NBUF,)),
            pltpu.SemaphoreType.DMA((NBUF,)),
        ],
    )
    def k(x_hbm, t_hbm, o_hbm, tb, xb, sin, sout):
        wid = lax.axis_index("s") * NC + lax.axis_index("c")
        tb_off = wid * CHD
        pltpu.sync_copy(t_hbm.at[pl.ds(tb_off, CHD)], tb)

        def off(cur):
            return cur * row_stride + tb_off

        def in_desc(cur, b):
            return pltpu.make_async_copy(
                x_hbm.at[pl.ds(off(cur), CHD)], xb.at[b], sin.at[b])

        def out_desc(cur, b):
            return pltpu.make_async_copy(
                xb.at[b], o_hbm.at[pl.ds(off(cur), CHD)], sout.at[b])

        in_desc(0, 0).start()
        in_desc(1, 1).start()

        def g_body(g, carry):
            for b in range(NBUF):
                cur = NBUF * g + b
                in_desc(cur, b).wait()

                @plsc.parallel_loop(0, CHD, 16, unroll=8)
                def _(i):
                    s = pl.ds(i, 16)
                    plsc.addupdate(xb.at[b, s], tb[s])

                out_desc(cur, b).start()

                b2 = (b + 2) % NBUF

                @pl.when(cur >= 2)
                def _():
                    out_desc(cur - 2, b2).wait()

                @pl.when(cur + 2 < Nt)
                def _():
                    in_desc(cur + 2, b2).start()
            return carry

        lax.fori_loop(0, Nt // NBUF, g_body, 0)
        for cur in (Nt - 2, Nt - 1):
            out_desc(cur, cur % NBUF).wait()

    return k(x_flat, t_flat).reshape(Nt, Nf, D)

# --- scband reference (transcript-rebuilt; emitter-appended) ---
"""Pipeline reference for scband-frequency-embedding-8143257993519 (READ-ONLY COPY).

The authoritative reference and input builder live on the scoring server;
editing this copy changes nothing except your own understanding.
"""

import jax, jax.numpy as jnp
import numpy as np

Nt = 64
Nf = 4096
D = 128

def setup_inputs(seed: int = 0) -> dict:
    key = jax.random.key(seed)
    k1, k2, k3 = jax.random.split(key, 3)
    x = jax.random.normal(k1, (Nt, Nf, D), dtype=jnp.float32)
    freqs = jax.random.randint(k2, (Nt, Nf), 0, Nf)
    table = jax.random.normal(k3, (Nf, D), dtype=jnp.float32) * 0.02
    return {"x": x, "freqs": freqs, "table": table}

def reference(x, freqs, table):
    # Faithful to the torch module: `freqs` is only shape-checked; the actual
    # lookup uses a broadcast arange over the Nf axis, repeated Nt times.
    Nt_, Nf_ = x.shape[0], x.shape[1]
    freq_indices = jnp.tile(jnp.arange(Nf_), Nt_).reshape(Nt_, Nf_)
    freq_embed = jnp.take(table, freq_indices, axis=0)  # [Nt, Nf, D] gather
    return x + freq_embed

if __name__ == "__main__":
    import jax
    _d = setup_inputs()
    print(jax.jit(kernel)(*tuple(_d.values())))

</pallas_src>

<mosaic_0001>
#map = affine_map<(d0, d1) -> (0)>
module attributes {stable_mosaic.version = 14 : i64} {
  func.func @k(%arg0: i32, %arg1: i32, %arg2: memref<33554432xf32, #tpu.memory_space<hbm>>, %arg3: memref<524288xf32, #tpu.memory_space<hbm>>, %arg4: memref<33554432xf32, #tpu.memory_space<hbm>>, %arg5: memref<16384xf32, #tpu.memory_space<vmem>>, %arg6: memref<4x16384xf32, #tpu.memory_space<vmem>>, %arg7: memref<4x!tpu.dma_semaphore, #tpu.memory_space<semaphore_mem>>, %arg8: memref<4x!tpu.dma_semaphore, #tpu.memory_space<semaphore_mem>>) attributes {dimension_semantics = [#tpu.dimension_semantics<core_parallel>, #tpu.dimension_semantics<subcore_parallel>], iteration_bounds = array<i64: 2, 16>, scalar_prefetch = 0 : i64, scratch_operands = 4 : i64, tpu.core_type = #tpu.core_type<sc_vector_subcore>, window_params = [{transform_indices = #map}, {transform_indices = #map}, {transform_indices = #map}]} {
    %mul3A = arith.constant 2 : i32
    %mul3A_0 = arith.muli %arg1, %mul3A : i32
    %add3A = arith.addi %mul3A_0, %arg0 : i32
    %mul3A_1 = arith.constant 16384 : i32
    %mul3A_2 = arith.muli %add3A, %mul3A_1 : i32
    "tpu.region"() ({
      %run_scoped3A = tpu.sem_alloc : memref<!tpu.dma_semaphore, #tpu.memory_space<semaphore_mem>>
      %dma_start3A_62 = tpu.memref_slice %arg3[%mul3A_2] : memref<524288xf32, #tpu.memory_space<hbm>> -> memref<16384xf32, #tpu.memory_space<hbm>>
      %dma_start3A_63 = tpu.memref_slice %arg3[%mul3A_2] : memref<524288xf32, #tpu.memory_space<hbm>> -> memref<16384xf32, #tpu.memory_space<hbm>>
      tpu.enqueue_dma source(%dma_start3A_63 : memref<16384xf32, #tpu.memory_space<hbm>>) target(%arg5 : memref<16384xf32, #tpu.memory_space<vmem>>) target_semaphore(%run_scoped3A : memref<!tpu.dma_semaphore, #tpu.memory_space<semaphore_mem>>)
      %dma_wait3A_64 = tpu.memref_slice %arg3[%mul3A_2] : memref<524288xf32, #tpu.memory_space<hbm>> -> memref<16384xf32, #tpu.memory_space<hbm>>
      %dma_wait3A_65 = tpu.memref_slice %arg3[%mul3A_2] : memref<524288xf32, #tpu.memory_space<hbm>> -> memref<16384xf32, #tpu.memory_space<hbm>>
      tpu.wait_dma2 semaphore(%run_scoped3A : memref<!tpu.dma_semaphore, #tpu.memory_space<semaphore_mem>>) src(%dma_wait3A_65 : memref<16384xf32, #tpu.memory_space<hbm>>) dst(%arg5 : memref<16384xf32, #tpu.memory_space<vmem>>)
      tpu.yield
    }) : () -> ()
    %add3A_3 = arith.constant 0 : i32
    %add3A_4 = arith.addi %add3A_3, %mul3A_2 : i32
    %dma_start3A = arith.constant 0 : i32
    %dma_start3A_5 = arith.constant 0 : i32
    %dma_start3A_6 = arith.constant 0 : i32
    %dma_start3A_7 = tpu.memref_slice %arg6[%dma_start3A, %dma_start3A_6] : memref<4x16384xf32, #tpu.memory_space<vmem>> -> memref<1x16384xf32, #tpu.memory_space<vmem>>
    %dma_start3A_8 = tpu.memref_squeeze %dma_start3A_7 : memref<1x16384xf32, #tpu.memory_space<vmem>> -> memref<16384xf32, #tpu.memory_space<vmem>>
    %dma_start3A_9 = tpu.memref_slice %arg2[%add3A_4] : memref<33554432xf32, #tpu.memory_space<hbm>> -> memref<16384xf32, #tpu.memory_space<hbm>>
    %dma_start3A_10 = tpu.memref_slice %arg7[%dma_start3A_5] : memref<4x!tpu.dma_semaphore, #tpu.memory_space<semaphore_mem>> -> memref<1x!tpu.dma_semaphore, #tpu.memory_space<semaphore_mem>>
    %dma_start3A_11 = tpu.memref_squeeze %dma_start3A_10 : memref<1x!tpu.dma_semaphore, #tpu.memory_space<semaphore_mem>> -> memref<!tpu.dma_semaphore, #tpu.memory_space<semaphore_mem>>
    %dma_start3A_12 = arith.constant 0 : i32
    %dma_start3A_13 = tpu.memref_slice %arg6[%dma_start3A, %dma_start3A_12] : memref<4x16384xf32, #tpu.memory_space<vmem>> -> memref<1x16384xf32, #tpu.memory_space<vmem>>
    %dma_start3A_14 = tpu.memref_squeeze %dma_start3A_13 : memref<1x16384xf32, #tpu.memory_space<vmem>> -> memref<16384xf32, #tpu.memory_space<vmem>>
    %dma_start3A_15 = tpu.memref_slice %arg2[%add3A_4] : memref<33554432xf32, #tpu.memory_space<hbm>> -> memref<16384xf32, #tpu.memory_space<hbm>>
    tpu.enqueue_dma source(%dma_start3A_15 : memref<16384xf32, #tpu.memory_space<hbm>>) target(%dma_start3A_14 : memref<16384xf32, #tpu.memory_space<vmem>>) target_semaphore(%dma_start3A_11 : memref<!tpu.dma_semaphore, #tpu.memory_space<semaphore_mem>>)
    %add3A_16 = arith.constant 524288 : i32
    %add3A_17 = arith.addi %add3A_16, %mul3A_2 : i32
    %dma_start3A_18 = arith.constant 1 : i32
    %dma_start3A_19 = arith.constant 1 : i32
    %dma_start3A_20 = arith.constant 0 : i32
    %dma_start3A_21 = tpu.memref_slice %arg6[%dma_start3A_18, %dma_start3A_20] : memref<4x16384xf32, #tpu.memory_space<vmem>> -> memref<1x16384xf32, #tpu.memory_space<vmem>>
    %dma_start3A_22 = tpu.memref_squeeze %dma_start3A_21 : memref<1x16384xf32, #tpu.memory_space<vmem>> -> memref<16384xf32, #tpu.memory_space<vmem>>
    %dma_start3A_23 = tpu.memref_slice %arg2[%add3A_17] : memref<33554432xf32, #tpu.memory_space<hbm>> -> memref<16384xf32, #tpu.memory_space<hbm>>
    %dma_start3A_24 = tpu.memref_slice %arg7[%dma_start3A_19] : memref<4x!tpu.dma_semaphore, #tpu.memory_space<semaphore_mem>> -> memref<1x!tpu.dma_semaphore, #tpu.memory_space<semaphore_mem>>
    %dma_start3A_25 = tpu.memref_squeeze %dma_start3A_24 : memref<1x!tpu.dma_semaphore, #tpu.memory_space<semaphore_mem>> -> memref<!tpu.dma_semaphore, #tpu.memory_space<semaphore_mem>>
    %dma_start3A_26 = arith.constant 0 : i32
    %dma_start3A_27 = tpu.memref_slice %arg6[%dma_start3A_18, %dma_start3A_26] : memref<4x16384xf32, #tpu.memory_space<vmem>> -> memref<1x16384xf32, #tpu.memory_space<vmem>>
    %dma_start3A_28 = tpu.memref_squeeze %dma_start3A_27 : memref<1x16384xf32, #tpu.memory_space<vmem>> -> memref<16384xf32, #tpu.memory_space<vmem>>
    %dma_start3A_29 = tpu.memref_slice %arg2[%add3A_17] : memref<33554432xf32, #tpu.memory_space<hbm>> -> memref<16384xf32, #tpu.memory_space<hbm>>
    tpu.enqueue_dma source(%dma_start3A_29 : memref<16384xf32, #tpu.memory_space<hbm>>) target(%dma_start3A_28 : memref<16384xf32, #tpu.memory_space<vmem>>) target_semaphore(%dma_start3A_25 : memref<!tpu.dma_semaphore, #tpu.memory_space<semaphore_mem>>)
    %scan3A = arith.constant 0 : i32
    %scan3A_30 = arith.constant 0 : i32
    %scan3A_31 = arith.constant 16 : i32
    %scan3A_32 = arith.addi %scan3A_30, %scan3A_31 : i32
    %scan3A_33 = arith.constant 1 : i32
    scf.for %scan3A_62 = %scan3A_30 to %scan3A_32 step %scan3A_33  : i32 {
      %mul3A_63 = arith.constant 4 : i32
      %mul3A_64 = arith.muli %mul3A_63, %scan3A_62 : i32
      %add3A_65 = arith.constant 0 : i32
      %add3A_66 = arith.addi %mul3A_64, %add3A_65 : i32
      %mul3A_67 = arith.constant 524288 : i32
      %mul3A_68 = arith.muli %add3A_66, %mul3A_67 : i32
      %add3A_69 = arith.addi %mul3A_68, %mul3A_2 : i32
      %dma_wait3A_70 = arith.constant 0 : i32
      %dma_wait3A_71 = arith.constant 0 : i32
      %dma_wait3A_72 = arith.constant 0 : i32
      %dma_wait3A_73 = tpu.memref_slice %arg6[%dma_wait3A_70, %dma_wait3A_72] : memref<4x16384xf32, #tpu.memory_space<vmem>> -> memref<1x16384xf32, #tpu.memory_space<vmem>>
      %dma_wait3A_74 = tpu.memref_squeeze %dma_wait3A_73 : memref<1x16384xf32, #tpu.memory_space<vmem>> -> memref<16384xf32, #tpu.memory_space<vmem>>
      %dma_wait3A_75 = tpu.memref_slice %arg2[%add3A_69] : memref<33554432xf32, #tpu.memory_space<hbm>> -> memref<16384xf32, #tpu.memory_space<hbm>>
      %dma_wait3A_76 = tpu.memref_slice %arg7[%dma_wait3A_71] : memref<4x!tpu.dma_semaphore, #tpu.memory_space<semaphore_mem>> -> memref<1x!tpu.dma_semaphore, #tpu.memory_space<semaphore_mem>>
      %dma_wait3A_77 = tpu.memref_squeeze %dma_wait3A_76 : memref<1x!tpu.dma_semaphore, #tpu.memory_space<semaphore_mem>> -> memref<!tpu.dma_semaphore, #tpu.memory_space<semaphore_mem>>
      %dma_wait3A_78 = arith.constant 0 : i32
      %dma_wait3A_79 = tpu.memref_slice %arg6[%dma_wait3A_70, %dma_wait3A_78] : memref<4x16384xf32, #tpu.memory_space<vmem>> -> memref<1x16384xf32, #tpu.memory_space<vmem>>
      %dma_wait3A_80 = tpu.memref_squeeze %dma_wait3A_79 : memref<1x16384xf32, #tpu.memory_space<vmem>> -> memref<16384xf32, #tpu.memory_space<vmem>>
      %dma_wait3A_81 = tpu.memref_slice %arg2[%add3A_69] : memref<33554432xf32, #tpu.memory_space<hbm>> -> memref<16384xf32, #tpu.memory_space<hbm>>
      tpu.wait_dma2 semaphore(%dma_wait3A_77 : memref<!tpu.dma_semaphore, #tpu.memory_space<semaphore_mem>>) src(%dma_wait3A_81 : memref<16384xf32, #tpu.memory_space<hbm>>) dst(%dma_wait3A_80 : memref<16384xf32, #tpu.memory_space<vmem>>)
      %parallel_loop3A = arith.constant 0 : i32
      %parallel_loop3A_82 = arith.constant 16384 : i32
      %parallel_loop3A_83 = arith.constant 16 : i32
      scf.for %parallel_loop3A_254 = %parallel_loop3A to %parallel_loop3A_82 step %parallel_loop3A_83  : i32 {
        %parallel_loop3A_255 = arith.index_cast %parallel_loop3A_254 : i32 to index
        %parallel_loop3A_256 = tpu.vector_load %arg5[%parallel_loop3A_255] {strides = array<i32>} : memref<16384xf32, #tpu.memory_space<vmem>>, vector<16xf32>,
        %parallel_loop3A_257 = vector.shape_cast %parallel_loop3A_256 : vector<16xf32> to vector<16xf32>
        %parallel_loop3A_258 = arith.constant 0 : i32
        %parallel_loop3A_259 = arith.index_cast %parallel_loop3A_258 : i32 to index
        %parallel_loop3A_260 = arith.index_cast %parallel_loop3A_254 : i32 to index
        %parallel_loop3A_261 = tpu.vector_load %arg6[%parallel_loop3A_259, %parallel_loop3A_260] {strides = array<i32>} : memref<4x16384xf32, #tpu.memory_space<vmem>>, vector<1x16xf32>,
        %parallel_loop3A_262 = vector.shape_cast %parallel_loop3A_261 : vector<1x16xf32> to vector<16xf32>
        %parallel_loop3A_263 = vector.shape_cast %parallel_loop3A_257 : vector<16xf32> to vector<1x16xf32>
        tpu.vector_store %arg6[%parallel_loop3A_259, %parallel_loop3A_260], %parallel_loop3A_263 {add = true, strides = array<i32>} : memref<4x16384xf32, #tpu.memory_space<vmem>>, vector<1x16xf32>,
      } {sc.loop_unroll_factor = 8 : i64, sc.parallel_access}
      %mul3A_84 = arith.constant 524288 : i32
      %mul3A_85 = arith.muli %add3A_66, %mul3A_84 : i32
      %add3A_86 = arith.addi %mul3A_85, %mul3A_2 : i32
      %dma_start3A_87 = arith.constant 0 : i32
      %dma_start3A_88 = arith.constant 0 : i32
      %dma_start3A_89 = arith.constant 0 : i32
      %dma_start3A_90 = tpu.memref_slice %arg6[%dma_start3A_87, %dma_start3A_89] : memref<4x16384xf32, #tpu.memory_space<vmem>> -> memref<1x16384xf32, #tpu.memory_space<vmem>>
      %dma_start3A_91 = tpu.memref_squeeze %dma_start3A_90 : memref<1x16384xf32, #tpu.memory_space<vmem>> -> memref<16384xf32, #tpu.memory_space<vmem>>
      %dma_start3A_92 = tpu.memref_slice %arg4[%add3A_86] : memref<33554432xf32, #tpu.memory_space<hbm>> -> memref<16384xf32, #tpu.memory_space<hbm>>
      %dma_start3A_93 = tpu.memref_slice %arg8[%dma_start3A_88] : memref<4x!tpu.dma_semaphore, #tpu.memory_space<semaphore_mem>> -> memref<1x!tpu.dma_semaphore, #tpu.memory_space<semaphore_mem>>
      %dma_start3A_94 = tpu.memref_squeeze %dma_start3A_93 : memref<1x!tpu.dma_semaphore, #tpu.memory_space<semaphore_mem>> -> memref<!tpu.dma_semaphore, #tpu.memory_space<semaphore_mem>>
      %dma_start3A_95 = tpu.memref_slice %arg4[%add3A_86] : memref<33554432xf32, #tpu.memory_space<hbm>> -> memref<16384xf32, #tpu.memory_space<hbm>>
      %dma_start3A_96 = arith.constant 0 : i32
      %dma_start3A_97 = tpu.memref_slice %arg6[%dma_start3A_87, %dma_start3A_96] : memref<4x16384xf32, #tpu.memory_space<vmem>> -> memref<1x16384xf32, #tpu.memory_space<vmem>>
      %dma_start3A_98 = tpu.memref_squeeze %dma_start3A_97 : memref<1x16384xf32, #tpu.memory_space<vmem>> -> memref<16384xf32, #tpu.memory_space<vmem>>
      tpu.enqueue_dma source(%dma_start3A_98 : memref<16384xf32, #tpu.memory_space<vmem>>) target(%dma_start3A_95 : memref<16384xf32, #tpu.memory_space<hbm>>) target_semaphore(%dma_start3A_94 : memref<!tpu.dma_semaphore, #tpu.memory_space<semaphore_mem>>)
      %ge3A = arith.constant 2 : i32
      %ge3A_99 = arith.cmpi sge, %add3A_66, %ge3A : i32
      %convert_element_type3A = arith.extui %ge3A_99 : i1 to i32
      %cond3A = arith.constant 0 : i32
      %cond3A_100 = arith.cmpi ne, %convert_element_type3A, %cond3A : i32
      scf.if %cond3A_100 {
        %sub3A = arith.constant 2 : i32
        %sub3A_254 = arith.subi %add3A_66, %sub3A : i32
        %mul3A_255 = arith.constant 524288 : i32
        %mul3A_256 = arith.muli %sub3A_254, %mul3A_255 : i32
        %add3A_257 = arith.addi %mul3A_256, %mul3A_2 : i32
        %dma_wait3A_258 = arith.constant 2 : i32
        %dma_wait3A_259 = arith.constant 2 : i32
        %dma_wait3A_260 = arith.constant 0 : i32
        %dma_wait3A_261 = tpu.memref_slice %arg6[%dma_wait3A_258, %dma_wait3A_260] : memref<4x16384xf32, #tpu.memory_space<vmem>> -> memref<1x16384xf32, #tpu.memory_space<vmem>>
        %dma_wait3A_262 = tpu.memref_squeeze %dma_wait3A_261 : memref<1x16384xf32, #tpu.memory_space<vmem>> -> memref<16384xf32, #tpu.memory_space<vmem>>
        %dma_wait3A_263 = tpu.memref_slice %arg4[%add3A_257] : memref<33554432xf32, #tpu.memory_space<hbm>> -> memref<16384xf32, #tpu.memory_space<hbm>>
        %dma_wait3A_264 = tpu.memref_slice %arg8[%dma_wait3A_259] : memref<4x!tpu.dma_semaphore, #tpu.memory_space<semaphore_mem>> -> memref<1x!tpu.dma_semaphore, #tpu.memory_space<semaphore_mem>>
        %dma_wait3A_265 = tpu.memref_squeeze %dma_wait3A_264 : memref<1x!tpu.dma_semaphore, #tpu.memory_space<semaphore_mem>> -> memref<!tpu.dma_semaphore, #tpu.memory_space<semaphore_mem>>
        %dma_wait3A_266 = tpu.memref_slice %arg4[%add3A_257] : memref<33554432xf32, #tpu.memory_space<hbm>> -> memref<16384xf32, #tpu.memory_space<hbm>>
        %dma_wait3A_267 = arith.constant 0 : i32
        %dma_wait3A_268 = tpu.memref_slice %arg6[%dma_wait3A_258, %dma_wait3A_267] : memref<4x16384xf32, #tpu.memory_space<vmem>> -> memref<1x16384xf32, #tpu.memory_space<vmem>>
        %dma_wait3A_269 = tpu.memref_squeeze %dma_wait3A_268 : memref<1x16384xf32, #tpu.memory_space<vmem>> -> memref<16384xf32, #tpu.memory_space<vmem>>
        tpu.wait_dma2 semaphore(%dma_wait3A_265 : memref<!tpu.dma_semaphore, #tpu.memory_space<semaphore_mem>>) src(%dma_wait3A_269 : memref<16384xf32, #tpu.memory_space<vmem>>) dst(%dma_wait3A_266 : memref<16384xf32, #tpu.memory_space<hbm>>)
      } else {
      }
      %add3A_101 = arith.constant 2 : i32
      %add3A_102 = arith.addi %add3A_66, %add3A_101 : i32
      %lt3A = arith.constant 64 : i32
      %lt3A_103 = arith.cmpi slt, %add3A_102, %lt3A : i32
      %convert_element_type3A_104 = arith.extui %lt3A_103 : i1 to i32
      %cond3A_105 = arith.constant 0 : i32
      %cond3A_106 = arith.cmpi ne, %convert_element_type3A_104, %cond3A_105 : i32
      scf.if %cond3A_106 {
        %add3A_254 = arith.constant 2 : i32
        %add3A_255 = arith.addi %add3A_66, %add3A_254 : i32
        %mul3A_256 = arith.constant 524288 : i32
        %mul3A_257 = arith.muli %add3A_255, %mul3A_256 : i32
        %add3A_258 = arith.addi %mul3A_257, %mul3A_2 : i32
        %dma_start3A_259 = arith.constant 2 : i32
        %dma_start3A_260 = arith.constant 2 : i32
        %dma_start3A_261 = arith.constant 0 : i32
        %dma_start3A_262 = tpu.memref_slice %arg6[%dma_start3A_259, %dma_start3A_261] : memref<4x16384xf32, #tpu.memory_space<vmem>> -> memref<1x16384xf32, #tpu.memory_space<vmem>>
        %dma_start3A_263 = tpu.memref_squeeze %dma_start3A_262 : memref<1x16384xf32, #tpu.memory_space<vmem>> -> memref<16384xf32, #tpu.memory_space<vmem>>
        %dma_start3A_264 = tpu.memref_slice %arg2[%add3A_258] : memref<33554432xf32, #tpu.memory_space<hbm>> -> memref<16384xf32, #tpu.memory_space<hbm>>
        %dma_start3A_265 = tpu.memref_slice %arg7[%dma_start3A_260] : memref<4x!tpu.dma_semaphore, #tpu.memory_space<semaphore_mem>> -> memref<1x!tpu.dma_semaphore, #tpu.memory_space<semaphore_mem>>
        %dma_start3A_266 = tpu.memref_squeeze %dma_start3A_265 : memref<1x!tpu.dma_semaphore, #tpu.memory_space<semaphore_mem>> -> memref<!tpu.dma_semaphore, #tpu.memory_space<semaphore_mem>>
        %dma_start3A_267 = arith.constant 0 : i32
        %dma_start3A_268 = tpu.memref_slice %arg6[%dma_start3A_259, %dma_start3A_267] : memref<4x16384xf32, #tpu.memory_space<vmem>> -> memref<1x16384xf32, #tpu.memory_space<vmem>>
        %dma_start3A_269 = tpu.memref_squeeze %dma_start3A_268 : memref<1x16384xf32, #tpu.memory_space<vmem>> -> memref<16384xf32, #tpu.memory_space<vmem>>
        %dma_start3A_270 = tpu.memref_slice %arg2[%add3A_258] : memref<33554432xf32, #tpu.memory_space<hbm>> -> memref<16384xf32, #tpu.memory_space<hbm>>
        tpu.enqueue_dma source(%dma_start3A_270 : memref<16384xf32, #tpu.memory_space<hbm>>) target(%dma_start3A_269 : memref<16384xf32, #tpu.memory_space<vmem>>) target_semaphore(%dma_start3A_266 : memref<!tpu.dma_semaphore, #tpu.memory_space<semaphore_mem>>)
      } else {
      }
      %mul3A_107 = arith.constant 4 : i32
      %mul3A_108 = arith.muli %mul3A_107, %scan3A_62 : i32
      %add3A_109 = arith.constant 1 : i32
      %add3A_110 = arith.addi %mul3A_108, %add3A_109 : i32
      %mul3A_111 = arith.constant 524288 : i32
      %mul3A_112 = arith.muli %add3A_110, %mul3A_111 : i32
      %add3A_113 = arith.addi %mul3A_112, %mul3A_2 : i32
      %dma_wait3A_114 = arith.constant 1 : i32
      %dma_wait3A_115 = arith.constant 1 : i32
      %dma_wait3A_116 = arith.constant 0 : i32
      %dma_wait3A_117 = tpu.memref_slice %arg6[%dma_wait3A_114, %dma_wait3A_116] : memref<4x16384xf32, #tpu.memory_space<vmem>> -> memref<1x16384xf32, #tpu.memory_space<vmem>>
      %dma_wait3A_118 = tpu.memref_squeeze %dma_wait3A_117 : memref<1x16384xf32, #tpu.memory_space<vmem>> -> memref<16384xf32, #tpu.memory_space<vmem>>
      %dma_wait3A_119 = tpu.memref_slice %arg2[%add3A_113] : memref<33554432xf32, #tpu.memory_space<hbm>> -> memref<16384xf32, #tpu.memory_space<hbm>>
      %dma_wait3A_120 = tpu.memref_slice %arg7[%dma_wait3A_115] : memref<4x!tpu.dma_semaphore, #tpu.memory_space<semaphore_mem>> -> memref<1x!tpu.dma_semaphore, #tpu.memory_space<semaphore_mem>>
      %dma_wait3A_121 = tpu.memref_squeeze %dma_wait3A_120 : memref<1x!tpu.dma_semaphore, #tpu.memory_space<semaphore_mem>> -> memref<!tpu.dma_semaphore, #tpu.memory_space<semaphore_mem>>
      %dma_wait3A_122 = arith.constant 0 : i32
      %dma_wait3A_123 = tpu.memref_slice %arg6[%dma_wait3A_114, %dma_wait3A_122] : memref<4x16384xf32, #tpu.memory_space<vmem>> -> memref<1x16384xf32, #tpu.memory_space<vmem>>
      %dma_wait3A_124 = tpu.memref_squeeze %dma_wait3A_123 : memref<1x16384xf32, #tpu.memory_space<vmem>> -> memref<16384xf32, #tpu.memory_space<vmem>>
      %dma_wait3A_125 = tpu.memref_slice %arg2[%add3A_113] : memref<33554432xf32, #tpu.memory_space<hbm>> -> memref<16384xf32, #tpu.memory_space<hbm>>
      tpu.wait_dma2 semaphore(%dma_wait3A_121 : memref<!tpu.dma_semaphore, #tpu.memory_space<semaphore_mem>>) src(%dma_wait3A_125 : memref<16384xf32, #tpu.memory_space<hbm>>) dst(%dma_wait3A_124 : memref<16384xf32, #tpu.memory_space<vmem>>)
      %parallel_loop3A_126 = arith.constant 0 : i32
      %parallel_loop3A_127 = arith.constant 16384 : i32
      %parallel_loop3A_128 = arith.constant 16 : i32
      scf.for %parallel_loop3A_254 = %parallel_loop3A_126 to %parallel_loop3A_127 step %parallel_loop3A_128  : i32 {
        %parallel_loop3A_255 = arith.index_cast %parallel_loop3A_254 : i32 to index
        %parallel_loop3A_256 = tpu.vector_load %arg5[%parallel_loop3A_255] {strides = array<i32>} : memref<16384xf32, #tpu.memory_space<vmem>>, vector<16xf32>,
        %parallel_loop3A_257 = vector.shape_cast %parallel_loop3A_256 : vector<16xf32> to vector<16xf32>
        %parallel_loop3A_258 = arith.constant 1 : i32
        %parallel_loop3A_259 = arith.index_cast %parallel_loop3A_258 : i32 to index
        %parallel_loop3A_260 = arith.index_cast %parallel_loop3A_254 : i32 to index
        %parallel_loop3A_261 = tpu.vector_load %arg6[%parallel_loop3A_259, %parallel_loop3A_260] {strides = array<i32>} : memref<4x16384xf32, #tpu.memory_space<vmem>>, vector<1x16xf32>,
        %parallel_loop3A_262 = vector.shape_cast %parallel_loop3A_261 : vector<1x16xf32> to vector<16xf32>
        %parallel_loop3A_263 = vector.shape_cast %parallel_loop3A_257 : vector<16xf32> to vector<1x16xf32>
        tpu.vector_store %arg6[%parallel_loop3A_259, %parallel_loop3A_260], %parallel_loop3A_263 {add = true, strides = array<i32>} : memref<4x16384xf32, #tpu.memory_space<vmem>>, vector<1x16xf32>,
      } {sc.loop_unroll_factor = 8 : i64, sc.parallel_access}
      %mul3A_129 = arith.constant 524288 : i32
      %mul3A_130 = arith.muli %add3A_110, %mul3A_129 : i32
      %add3A_131 = arith.addi %mul3A_130, %mul3A_2 : i32
      %dma_start3A_132 = arith.constant 1 : i32
      %dma_start3A_133 = arith.constant 1 : i32
      %dma_start3A_134 = arith.constant 0 : i32
      %dma_start3A_135 = tpu.memref_slice %arg6[%dma_start3A_132, %dma_start3A_134] : memref<4x16384xf32, #tpu.memory_space<vmem>> -> memref<1x16384xf32, #tpu.memory_space<vmem>>
      %dma_start3A_136 = tpu.memref_squeeze %dma_start3A_135 : memref<1x16384xf32, #tpu.memory_space<vmem>> -> memref<16384xf32, #tpu.memory_space<vmem>>
      %dma_start3A_137 = tpu.memref_slice %arg4[%add3A_131] : memref<33554432xf32, #tpu.memory_space<hbm>> -> memref<16384xf32, #tpu.memory_space<hbm>>
      %dma_start3A_138 = tpu.memref_slice %arg8[%dma_start3A_133] : memref<4x!tpu.dma_semaphore, #tpu.memory_space<semaphore_mem>> -> memref<1x!tpu.dma_semaphore, #tpu.memory_space<semaphore_mem>>
      %dma_start3A_139 = tpu.memref_squeeze %dma_start3A_138 : memref<1x!tpu.dma_semaphore, #tpu.memory_space<semaphore_mem>> -> memref<!tpu.dma_semaphore, #tpu.memory_space<semaphore_mem>>
      %dma_start3A_140 = tpu.memref_slice %arg4[%add3A_131] : memref<33554432xf32, #tpu.memory_space<hbm>> -> memref<16384xf32, #tpu.memory_space<hbm>>
      %dma_start3A_141 = arith.constant 0 : i32
      %dma_start3A_142 = tpu.memref_slice %arg6[%dma_start3A_132, %dma_start3A_141] : memref<4x16384xf32, #tpu.memory_space<vmem>> -> memref<1x16384xf32, #tpu.memory_space<vmem>>
      %dma_start3A_143 = tpu.memref_squeeze %dma_start3A_142 : memref<1x16384xf32, #tpu.memory_space<vmem>> -> memref<16384xf32, #tpu.memory_space<vmem>>
      tpu.enqueue_dma source(%dma_start3A_143 : memref<16384xf32, #tpu.memory_space<vmem>>) target(%dma_start3A_140 : memref<16384xf32, #tpu.memory_space<hbm>>) target_semaphore(%dma_start3A_139 : memref<!tpu.dma_semaphore, #tpu.memory_space<semaphore_mem>>)
      %ge3A_144 = arith.constant 2 : i32
      %ge3A_145 = arith.cmpi sge, %add3A_110, %ge3A_144 : i32
      %convert_element_type3A_146 = arith.extui %ge3A_145 : i1 to i32
      %cond3A_147 = arith.constant 0 : i32
      %cond3A_148 = arith.cmpi ne, %convert_element_type3A_146, %cond3A_147 : i32
      scf.if %cond3A_148 {
        %sub3A = arith.constant 2 : i32
        %sub3A_254 = arith.subi %add3A_110, %sub3A : i32
        %mul3A_255 = arith.constant 524288 : i32
        %mul3A_256 = arith.muli %sub3A_254, %mul3A_255 : i32
        %add3A_257 = arith.addi %mul3A_256, %mul3A_2 : i32
        %dma_wait3A_258 = arith.constant 3 : i32
        %dma_wait3A_259 = arith.constant 3 : i32
        %dma_wait3A_260 = arith.constant 0 : i32
        %dma_wait3A_261 = tpu.memref_slice %arg6[%dma_wait3A_258, %dma_wait3A_260] : memref<4x16384xf32, #tpu.memory_space<vmem>> -> memref<1x16384xf32, #tpu.memory_space<vmem>>
        %dma_wait3A_262 = tpu.memref_squeeze %dma_wait3A_261 : memref<1x16384xf32, #tpu.memory_space<vmem>> -> memref<16384xf32, #tpu.memory_space<vmem>>
        %dma_wait3A_263 = tpu.memref_slice %arg4[%add3A_257] : memref<33554432xf32, #tpu.memory_space<hbm>> -> memref<16384xf32, #tpu.memory_space<hbm>>
        %dma_wait3A_264 = tpu.memref_slice %arg8[%dma_wait3A_259] : memref<4x!tpu.dma_semaphore, #tpu.memory_space<semaphore_mem>> -> memref<1x!tpu.dma_semaphore, #tpu.memory_space<semaphore_mem>>
        %dma_wait3A_265 = tpu.memref_squeeze %dma_wait3A_264 : memref<1x!tpu.dma_semaphore, #tpu.memory_space<semaphore_mem>> -> memref<!tpu.dma_semaphore, #tpu.memory_space<semaphore_mem>>
        %dma_wait3A_266 = tpu.memref_slice %arg4[%add3A_257] : memref<33554432xf32, #tpu.memory_space<hbm>> -> memref<16384xf32, #tpu.memory_space<hbm>>
        %dma_wait3A_267 = arith.constant 0 : i32
        %dma_wait3A_268 = tpu.memref_slice %arg6[%dma_wait3A_258, %dma_wait3A_267] : memref<4x16384xf32, #tpu.memory_space<vmem>> -> memref<1x16384xf32, #tpu.memory_space<vmem>>
        %dma_wait3A_269 = tpu.memref_squeeze %dma_wait3A_268 : memref<1x16384xf32, #tpu.memory_space<vmem>> -> memref<16384xf32, #tpu.memory_space<vmem>>
        tpu.wait_dma2 semaphore(%dma_wait3A_265 : memref<!tpu.dma_semaphore, #tpu.memory_space<semaphore_mem>>) src(%dma_wait3A_269 : memref<16384xf32, #tpu.memory_space<vmem>>) dst(%dma_wait3A_266 : memref<16384xf32, #tpu.memory_space<hbm>>)
      } else {
      }
      %add3A_149 = arith.constant 2 : i32
      %add3A_150 = arith.addi %add3A_110, %add3A_149 : i32
      %lt3A_151 = arith.constant 64 : i32
      %lt3A_152 = arith.cmpi slt, %add3A_150, %lt3A_151 : i32
      %convert_element_type3A_153 = arith.extui %lt3A_152 : i1 to i32
      %cond3A_154 = arith.constant 0 : i32
      %cond3A_155 = arith.cmpi ne, %convert_element_type3A_153, %cond3A_154 : i32
      scf.if %cond3A_155 {
        %add3A_254 = arith.constant 2 : i32
        %add3A_255 = arith.addi %add3A_110, %add3A_254 : i32
        %mul3A_256 = arith.constant 524288 : i32
        %mul3A_257 = arith.muli %add3A_255, %mul3A_256 : i32
        %add3A_258 = arith.addi %mul3A_257, %mul3A_2 : i32
        %dma_start3A_259 = arith.constant 3 : i32
        %dma_start3A_260 = arith.constant 3 : i32
        %dma_start3A_261 = arith.constant 0 : i32
        %dma_start3A_262 = tpu.memref_slice %arg6[%dma_start3A_259, %dma_start3A_261] : memref<4x16384xf32, #tpu.memory_space<vmem>> -> memref<1x16384xf32, #tpu.memory_space<vmem>>
        %dma_start3A_263 = tpu.memref_squeeze %dma_start3A_262 : memref<1x16384xf32, #tpu.memory_space<vmem>> -> memref<16384xf32, #tpu.memory_space<vmem>>
        %dma_start3A_264 = tpu.memref_slice %arg2[%add3A_258] : memref<33554432xf32, #tpu.memory_space<hbm>> -> memref<16384xf32, #tpu.memory_space<hbm>>
        %dma_start3A_265 = tpu.memref_slice %arg7[%dma_start3A_260] : memref<4x!tpu.dma_semaphore, #tpu.memory_space<semaphore_mem>> -> memref<1x!tpu.dma_semaphore, #tpu.memory_space<semaphore_mem>>
        %dma_start3A_266 = tpu.memref_squeeze %dma_start3A_265 : memref<1x!tpu.dma_semaphore, #tpu.memory_space<semaphore_mem>> -> memref<!tpu.dma_semaphore, #tpu.memory_space<semaphore_mem>>
        %dma_start3A_267 = arith.constant 0 : i32
        %dma_start3A_268 = tpu.memref_slice %arg6[%dma_start3A_259, %dma_start3A_267] : memref<4x16384xf32, #tpu.memory_space<vmem>> -> memref<1x16384xf32, #tpu.memory_space<vmem>>
        %dma_start3A_269 = tpu.memref_squeeze %dma_start3A_268 : memref<1x16384xf32, #tpu.memory_space<vmem>> -> memref<16384xf32, #tpu.memory_space<vmem>>
        %dma_start3A_270 = tpu.memref_slice %arg2[%add3A_258] : memref<33554432xf32, #tpu.memory_space<hbm>> -> memref<16384xf32, #tpu.memory_space<hbm>>
        tpu.enqueue_dma source(%dma_start3A_270 : memref<16384xf32, #tpu.memory_space<hbm>>) target(%dma_start3A_269 : memref<16384xf32, #tpu.memory_space<vmem>>) target_semaphore(%dma_start3A_266 : memref<!tpu.dma_semaphore, #tpu.memory_space<semaphore_mem>>)
      } else {
      }
      %mul3A_156 = arith.constant 4 : i32
      %mul3A_157 = arith.muli %mul3A_156, %scan3A_62 : i32
      %add3A_158 = arith.constant 2 : i32
      %add3A_159 = arith.addi %mul3A_157, %add3A_158 : i32
      %mul3A_160 = arith.constant 524288 : i32
      %mul3A_161 = arith.muli %add3A_159, %mul3A_160 : i32
      %add3A_162 = arith.addi %mul3A_161, %mul3A_2 : i32
      %dma_wait3A_163 = arith.constant 2 : i32
      %dma_wait3A_164 = arith.constant 2 : i32
      %dma_wait3A_165 = arith.constant 0 : i32
      %dma_wait3A_166 = tpu.memref_slice %arg6[%dma_wait3A_163, %dma_wait3A_165] : memref<4x16384xf32, #tpu.memory_space<vmem>> -> memref<1x16384xf32, #tpu.memory_space<vmem>>
      %dma_wait3A_167 = tpu.memref_squeeze %dma_wait3A_166 : memref<1x16384xf32, #tpu.memory_space<vmem>> -> memref<16384xf32, #tpu.memory_space<vmem>>
      %dma_wait3A_168 = tpu.memref_slice %arg2[%add3A_162] : memref<33554432xf32, #tpu.memory_space<hbm>> -> memref<16384xf32, #tpu.memory_space<hbm>>
      %dma_wait3A_169 = tpu.memref_slice %arg7[%dma_wait3A_164] : memref<4x!tpu.dma_semaphore, #tpu.memory_space<semaphore_mem>> -> memref<1x!tpu.dma_semaphore, #tpu.memory_space<semaphore_mem>>
      %dma_wait3A_170 = tpu.memref_squeeze %dma_wait3A_169 : memref<1x!tpu.dma_semaphore, #tpu.memory_space<semaphore_mem>> -> memref<!tpu.dma_semaphore, #tpu.memory_space<semaphore_mem>>
      %dma_wait3A_171 = arith.constant 0 : i32
      %dma_wait3A_172 = tpu.memref_slice %arg6[%dma_wait3A_163, %dma_wait3A_171] : memref<4x16384xf32, #tpu.memory_space<vmem>> -> memref<1x16384xf32, #tpu.memory_space<vmem>>
      %dma_wait3A_173 = tpu.memref_squeeze %dma_wait3A_172 : memref<1x16384xf32, #tpu.memory_space<vmem>> -> memref<16384xf32, #tpu.memory_space<vmem>>
      %dma_wait3A_174 = tpu.memref_slice %arg2[%add3A_162] : memref<33554432xf32, #tpu.memory_space<hbm>> -> memref<16384xf32, #tpu.memory_space<hbm>>
      tpu.wait_dma2 semaphore(%dma_wait3A_170 : memref<!tpu.dma_semaphore, #tpu.memory_space<semaphore_mem>>) src(%dma_wait3A_174 : memref<16384xf32, #tpu.memory_space<hbm>>) dst(%dma_wait3A_173 : memref<16384xf32, #tpu.memory_space<vmem>>)
      %parallel_loop3A_175 = arith.constant 0 : i32
      %parallel_loop3A_176 = arith.constant 16384 : i32
      %parallel_loop3A_177 = arith.constant 16 : i32
      scf.for %parallel_loop3A_254 = %parallel_loop3A_175 to %parallel_loop3A_176 step %parallel_loop3A_177  : i32 {
        %parallel_loop3A_255 = arith.index_cast %parallel_loop3A_254 : i32 to index
        %parallel_loop3A_256 = tpu.vector_load %arg5[%parallel_loop3A_255] {strides = array<i32>} : memref<16384xf32, #tpu.memory_space<vmem>>, vector<16xf32>,
        %parallel_loop3A_257 = vector.shape_cast %parallel_loop3A_256 : vector<16xf32> to vector<16xf32>
        %parallel_loop3A_258 = arith.constant 2 : i32
        %parallel_loop3A_259 = arith.index_cast %parallel_loop3A_258 : i32 to index
        %parallel_loop3A_260 = arith.index_cast %parallel_loop3A_254 : i32 to index
        %parallel_loop3A_261 = tpu.vector_load %arg6[%parallel_loop3A_259, %parallel_loop3A_260] {strides = array<i32>} : memref<4x16384xf32, #tpu.memory_space<vmem>>, vector<1x16xf32>,
        %parallel_loop3A_262 = vector.shape_cast %parallel_loop3A_261 : vector<1x16xf32> to vector<16xf32>
        %parallel_loop3A_263 = vector.shape_cast %parallel_loop3A_257 : vector<16xf32> to vector<1x16xf32>
        tpu.vector_store %arg6[%parallel_loop3A_259, %parallel_loop3A_260], %parallel_loop3A_263 {add = true, strides = array<i32>} : memref<4x16384xf32, #tpu.memory_space<vmem>>, vector<1x16xf32>,
      } {sc.loop_unroll_factor = 8 : i64, sc.parallel_access}
      %mul3A_178 = arith.constant 524288 : i32
      %mul3A_179 = arith.muli %add3A_159, %mul3A_178 : i32
      %add3A_180 = arith.addi %mul3A_179, %mul3A_2 : i32
      %dma_start3A_181 = arith.constant 2 : i32
      %dma_start3A_182 = arith.constant 2 : i32
      %dma_start3A_183 = arith.constant 0 : i32
      %dma_start3A_184 = tpu.memref_slice %arg6[%dma_start3A_181, %dma_start3A_183] : memref<4x16384xf32, #tpu.memory_space<vmem>> -> memref<1x16384xf32, #tpu.memory_space<vmem>>
      %dma_start3A_185 = tpu.memref_squeeze %dma_start3A_184 : memref<1x16384xf32, #tpu.memory_space<vmem>> -> memref<16384xf32, #tpu.memory_space<vmem>>
      %dma_start3A_186 = tpu.memref_slice %arg4[%add3A_180] : memref<33554432xf32, #tpu.memory_space<hbm>> -> memref<16384xf32, #tpu.memory_space<hbm>>
      %dma_start3A_187 = tpu.memref_slice %arg8[%dma_start3A_182] : memref<4x!tpu.dma_semaphore, #tpu.memory_space<semaphore_mem>> -> memref<1x!tpu.dma_semaphore, #tpu.memory_space<semaphore_mem>>
      %dma_start3A_188 = tpu.memref_squeeze %dma_start3A_187 : memref<1x!tpu.dma_semaphore, #tpu.memory_space<semaphore_mem>> -> memref<!tpu.dma_semaphore, #tpu.memory_space<semaphore_mem>>
      %dma_start3A_189 = tpu.memref_slice %arg4[%add3A_180] : memref<33554432xf32, #tpu.memory_space<hbm>> -> memref<16384xf32, #tpu.memory_space<hbm>>
      %dma_start3A_190 = arith.constant 0 : i32
      %dma_start3A_191 = tpu.memref_slice %arg6[%dma_start3A_181, %dma_start3A_190] : memref<4x16384xf32, #tpu.memory_space<vmem>> -> memref<1x16384xf32, #tpu.memory_space<vmem>>
      %dma_start3A_192 = tpu.memref_squeeze %dma_start3A_191 : memref<1x16384xf32, #tpu.memory_space<vmem>> -> memref<16384xf32, #tpu.memory_space<vmem>>
      tpu.enqueue_dma source(%dma_start3A_192 : memref<16384xf32, #tpu.memory_space<vmem>>) target(%dma_start3A_189 : memref<16384xf32, #tpu.memory_space<hbm>>) target_semaphore(%dma_start3A_188 : memref<!tpu.dma_semaphore, #tpu.memory_space<semaphore_mem>>)
      %ge3A_193 = arith.constant 2 : i32
      %ge3A_194 = arith.cmpi sge, %add3A_159, %ge3A_193 : i32
      %convert_element_type3A_195 = arith.extui %ge3A_194 : i1 to i32
      %cond3A_196 = arith.constant 0 : i32
      %cond3A_197 = arith.cmpi ne, %convert_element_type3A_195, %cond3A_196 : i32
      scf.if %cond3A_197 {
        %sub3A = arith.constant 2 : i32
        %sub3A_254 = arith.subi %add3A_159, %sub3A : i32
        %mul3A_255 = arith.constant 524288 : i32
        %mul3A_256 = arith.muli %sub3A_254, %mul3A_255 : i32
        %add3A_257 = arith.addi %mul3A_256, %mul3A_2 : i32
        %dma_wait3A_258 = arith.constant 0 : i32
        %dma_wait3A_259 = arith.constant 0 : i32
        %dma_wait3A_260 = arith.constant 0 : i32
        %dma_wait3A_261 = tpu.memref_slice %arg6[%dma_wait3A_258, %dma_wait3A_260] : memref<4x16384xf32, #tpu.memory_space<vmem>> -> memref<1x16384xf32, #tpu.memory_space<vmem>>
        %dma_wait3A_262 = tpu.memref_squeeze %dma_wait3A_261 : memref<1x16384xf32, #tpu.memory_space<vmem>> -> memref<16384xf32, #tpu.memory_space<vmem>>
        %dma_wait3A_263 = tpu.memref_slice %arg4[%add3A_257] : memref<33554432xf32, #tpu.memory_space<hbm>> -> memref<16384xf32, #tpu.memory_space<hbm>>
        %dma_wait3A_264 = tpu.memref_slice %arg8[%dma_wait3A_259] : memref<4x!tpu.dma_semaphore, #tpu.memory_space<semaphore_mem>> -> memref<1x!tpu.dma_semaphore, #tpu.memory_space<semaphore_mem>>
        %dma_wait3A_265 = tpu.memref_squeeze %dma_wait3A_264 : memref<1x!tpu.dma_semaphore, #tpu.memory_space<semaphore_mem>> -> memref<!tpu.dma_semaphore, #tpu.memory_space<semaphore_mem>>
        %dma_wait3A_266 = tpu.memref_slice %arg4[%add3A_257] : memref<33554432xf32, #tpu.memory_space<hbm>> -> memref<16384xf32, #tpu.memory_space<hbm>>
        %dma_wait3A_267 = arith.constant 0 : i32
        %dma_wait3A_268 = tpu.memref_slice %arg6[%dma_wait3A_258, %dma_wait3A_267] : memref<4x16384xf32, #tpu.memory_space<vmem>> -> memref<1x16384xf32, #tpu.memory_space<vmem>>
        %dma_wait3A_269 = tpu.memref_squeeze %dma_wait3A_268 : memref<1x16384xf32, #tpu.memory_space<vmem>> -> memref<16384xf32, #tpu.memory_space<vmem>>
        tpu.wait_dma2 semaphore(%dma_wait3A_265 : memref<!tpu.dma_semaphore, #tpu.memory_space<semaphore_mem>>) src(%dma_wait3A_269 : memref<16384xf32, #tpu.memory_space<vmem>>) dst(%dma_wait3A_266 : memref<16384xf32, #tpu.memory_space<hbm>>)
      } else {
      }
      %add3A_198 = arith.constant 2 : i32
      %add3A_199 = arith.addi %add3A_159, %add3A_198 : i32
      %lt3A_200 = arith.constant 64 : i32
      %lt3A_201 = arith.cmpi slt, %add3A_199, %lt3A_200 : i32
      %convert_element_type3A_202 = arith.extui %lt3A_201 : i1 to i32
      %cond3A_203 = arith.constant 0 : i32
      %cond3A_204 = arith.cmpi ne, %convert_element_type3A_202, %cond3A_203 : i32
      scf.if %cond3A_204 {
        %add3A_254 = arith.constant 2 : i32
        %add3A_255 = arith.addi %add3A_159, %add3A_254 : i32
        %mul3A_256 = arith.constant 524288 : i32
        %mul3A_257 = arith.muli %add3A_255, %mul3A_256 : i32
        %add3A_258 = arith.addi %mul3A_257, %mul3A_2 : i32
        %dma_start3A_259 = arith.constant 0 : i32
        %dma_start3A_260 = arith.constant 0 : i32
        %dma_start3A_261 = arith.constant 0 : i32
        %dma_start3A_262 = tpu.memref_slice %arg6[%dma_start3A_259, %dma_start3A_261] : memref<4x16384xf32, #tpu.memory_space<vmem>> -> memref<1x16384xf32, #tpu.memory_space<vmem>>
        %dma_start3A_263 = tpu.memref_squeeze %dma_start3A_262 : memref<1x16384xf32, #tpu.memory_space<vmem>> -> memref<16384xf32, #tpu.memory_space<vmem>>
        %dma_start3A_264 = tpu.memref_slice %arg2[%add3A_258] : memref<33554432xf32, #tpu.memory_space<hbm>> -> memref<16384xf32, #tpu.memory_space<hbm>>
        %dma_start3A_265 = tpu.memref_slice %arg7[%dma_start3A_260] : memref<4x!tpu.dma_semaphore, #tpu.memory_space<semaphore_mem>> -> memref<1x!tpu.dma_semaphore, #tpu.memory_space<semaphore_mem>>
        %dma_start3A_266 = tpu.memref_squeeze %dma_start3A_265 : memref<1x!tpu.dma_semaphore, #tpu.memory_space<semaphore_mem>> -> memref<!tpu.dma_semaphore, #tpu.memory_space<semaphore_mem>>
        %dma_start3A_267 = arith.constant 0 : i32
        %dma_start3A_268 = tpu.memref_slice %arg6[%dma_start3A_259, %dma_start3A_267] : memref<4x16384xf32, #tpu.memory_space<vmem>> -> memref<1x16384xf32, #tpu.memory_space<vmem>>
        %dma_start3A_269 = tpu.memref_squeeze %dma_start3A_268 : memref<1x16384xf32, #tpu.memory_space<vmem>> -> memref<16384xf32, #tpu.memory_space<vmem>>
        %dma_start3A_270 = tpu.memref_slice %arg2[%add3A_258] : memref<33554432xf32, #tpu.memory_space<hbm>> -> memref<16384xf32, #tpu.memory_space<hbm>>
        tpu.enqueue_dma source(%dma_start3A_270 : memref<16384xf32, #tpu.memory_space<hbm>>) target(%dma_start3A_269 : memref<16384xf32, #tpu.memory_space<vmem>>) target_semaphore(%dma_start3A_266 : memref<!tpu.dma_semaphore, #tpu.memory_space<semaphore_mem>>)
      } else {
      }
      %mul3A_205 = arith.constant 4 : i32
      %mul3A_206 = arith.muli %mul3A_205, %scan3A_62 : i32
      %add3A_207 = arith.constant 3 : i32
      %add3A_208 = arith.addi %mul3A_206, %add3A_207 : i32
      %mul3A_209 = arith.constant 524288 : i32
      %mul3A_210 = arith.muli %add3A_208, %mul3A_209 : i32
      %add3A_211 = arith.addi %mul3A_210, %mul3A_2 : i32
      %dma_wait3A_212 = arith.constant 3 : i32
      %dma_wait3A_213 = arith.constant 3 : i32
      %dma_wait3A_214 = arith.constant 0 : i32
      %dma_wait3A_215 = tpu.memref_slice %arg6[%dma_wait3A_212, %dma_wait3A_214] : memref<4x16384xf32, #tpu.memory_space<vmem>> -> memref<1x16384xf32, #tpu.memory_space<vmem>>
      %dma_wait3A_216 = tpu.memref_squeeze %dma_wait3A_215 : memref<1x16384xf32, #tpu.memory_space<vmem>> -> memref<16384xf32, #tpu.memory_space<vmem>>
      %dma_wait3A_217 = tpu.memref_slice %arg2[%add3A_211] : memref<33554432xf32, #tpu.memory_space<hbm>> -> memref<16384xf32, #tpu.memory_space<hbm>>
      %dma_wait3A_218 = tpu.memref_slice %arg7[%dma_wait3A_213] : memref<4x!tpu.dma_semaphore, #tpu.memory_space<semaphore_mem>> -> memref<1x!tpu.dma_semaphore, #tpu.memory_space<semaphore_mem>>
      %dma_wait3A_219 = tpu.memref_squeeze %dma_wait3A_218 : memref<1x!tpu.dma_semaphore, #tpu.memory_space<semaphore_mem>> -> memref<!tpu.dma_semaphore, #tpu.memory_space<semaphore_mem>>
      %dma_wait3A_220 = arith.constant 0 : i32
      %dma_wait3A_221 = tpu.memref_slice %arg6[%dma_wait3A_212, %dma_wait3A_220] : memref<4x16384xf32, #tpu.memory_space<vmem>> -> memref<1x16384xf32, #tpu.memory_space<vmem>>
      %dma_wait3A_222 = tpu.memref_squeeze %dma_wait3A_221 : memref<1x16384xf32, #tpu.memory_space<vmem>> -> memref<16384xf32, #tpu.memory_space<vmem>>
      %dma_wait3A_223 = tpu.memref_slice %arg2[%add3A_211] : memref<33554432xf32, #tpu.memory_space<hbm>> -> memref<16384xf32, #tpu.memory_space<hbm>>
      tpu.wait_dma2 semaphore(%dma_wait3A_219 : memref<!tpu.dma_semaphore, #tpu.memory_space<semaphore_mem>>) src(%dma_wait3A_223 : memref<16384xf32, #tpu.memory_space<hbm>>) dst(%dma_wait3A_222 : memref<16384xf32, #tpu.memory_space<vmem>>)
      %parallel_loop3A_224 = arith.constant 0 : i32
      %parallel_loop3A_225 = arith.constant 16384 : i32
      %parallel_loop3A_226 = arith.constant 16 : i32
      scf.for %parallel_loop3A_254 = %parallel_loop3A_224 to %parallel_loop3A_225 step %parallel_loop3A_226  : i32 {
        %parallel_loop3A_255 = arith.index_cast %parallel_loop3A_254 : i32 to index
        %parallel_loop3A_256 = tpu.vector_load %arg5[%parallel_loop3A_255] {strides = array<i32>} : memref<16384xf32, #tpu.memory_space<vmem>>, vector<16xf32>,
        %parallel_loop3A_257 = vector.shape_cast %parallel_loop3A_256 : vector<16xf32> to vector<16xf32>
        %parallel_loop3A_258 = arith.constant 3 : i32
        %parallel_loop3A_259 = arith.index_cast %parallel_loop3A_258 : i32 to index
        %parallel_loop3A_260 = arith.index_cast %parallel_loop3A_254 : i32 to index
        %parallel_loop3A_261 = tpu.vector_load %arg6[%parallel_loop3A_259, %parallel_loop3A_260] {strides = array<i32>} : memref<4x16384xf32, #tpu.memory_space<vmem>>, vector<1x16xf32>,
        %parallel_loop3A_262 = vector.shape_cast %parallel_loop3A_261 : vector<1x16xf32> to vector<16xf32>
        %parallel_loop3A_263 = vector.shape_cast %parallel_loop3A_257 : vector<16xf32> to vector<1x16xf32>
        tpu.vector_store %arg6[%parallel_loop3A_259, %parallel_loop3A_260], %parallel_loop3A_263 {add = true, strides = array<i32>} : memref<4x16384xf32, #tpu.memory_space<vmem>>, vector<1x16xf32>,
      } {sc.loop_unroll_factor = 8 : i64, sc.parallel_access}
      %mul3A_227 = arith.constant 524288 : i32
      %mul3A_228 = arith.muli %add3A_208, %mul3A_227 : i32
      %add3A_229 = arith.addi %mul3A_228, %mul3A_2 : i32
      %dma_start3A_230 = arith.constant 3 : i32
      %dma_start3A_231 = arith.constant 3 : i32
      %dma_start3A_232 = arith.constant 0 : i32
      %dma_start3A_233 = tpu.memref_slice %arg6[%dma_start3A_230, %dma_start3A_232] : memref<4x16384xf32, #tpu.memory_space<vmem>> -> memref<1x16384xf32, #tpu.memory_space<vmem>>
      %dma_start3A_234 = tpu.memref_squeeze %dma_start3A_233 : memref<1x16384xf32, #tpu.memory_space<vmem>> -> memref<16384xf32, #tpu.memory_space<vmem>>
      %dma_start3A_235 = tpu.memref_slice %arg4[%add3A_229] : memref<33554432xf32, #tpu.memory_space<hbm>> -> memref<16384xf32, #tpu.memory_space<hbm>>
      %dma_start3A_236 = tpu.memref_slice %arg8[%dma_start3A_231] : memref<4x!tpu.dma_semaphore, #tpu.memory_space<semaphore_mem>> -> memref<1x!tpu.dma_semaphore, #tpu.memory_space<semaphore_mem>>
      %dma_start3A_237 = tpu.memref_squeeze %dma_start3A_236 : memref<1x!tpu.dma_semaphore, #tpu.memory_space<semaphore_mem>> -> memref<!tpu.dma_semaphore, #tpu.memory_space<semaphore_mem>>
      %dma_start3A_238 = tpu.memref_slice %arg4[%add3A_229] : memref<33554432xf32, #tpu.memory_space<hbm>> -> memref<16384xf32, #tpu.memory_space<hbm>>
      %dma_start3A_239 = arith.constant 0 : i32
      %dma_start3A_240 = tpu.memref_slice %arg6[%dma_start3A_230, %dma_start3A_239] : memref<4x16384xf32, #tpu.memory_space<vmem>> -> memref<1x16384xf32, #tpu.memory_space<vmem>>
      %dma_start3A_241 = tpu.memref_squeeze %dma_start3A_240 : memref<1x16384xf32, #tpu.memory_space<vmem>> -> memref<16384xf32, #tpu.memory_space<vmem>>
      tpu.enqueue_dma source(%dma_start3A_241 : memref<16384xf32, #tpu.memory_space<vmem>>) target(%dma_start3A_238 : memref<16384xf32, #tpu.memory_space<hbm>>) target_semaphore(%dma_start3A_237 : memref<!tpu.dma_semaphore, #tpu.memory_space<semaphore_mem>>)
      %ge3A_242 = arith.constant 2 : i32
      %ge3A_243 = arith.cmpi sge, %add3A_208, %ge3A_242 : i32
      %convert_element_type3A_244 = arith.extui %ge3A_243 : i1 to i32
      %cond3A_245 = arith.constant 0 : i32
      %cond3A_246 = arith.cmpi ne, %convert_element_type3A_244, %cond3A_245 : i32
      scf.if %cond3A_246 {
        %sub3A = arith.constant 2 : i32
        %sub3A_254 = arith.subi %add3A_208, %sub3A : i32
        %mul3A_255 = arith.constant 524288 : i32
        %mul3A_256 = arith.muli %sub3A_254, %mul3A_255 : i32
        %add3A_257 = arith.addi %mul3A_256, %mul3A_2 : i32
        %dma_wait3A_258 = arith.constant 1 : i32
        %dma_wait3A_259 = arith.constant 1 : i32
        %dma_wait3A_260 = arith.constant 0 : i32
        %dma_wait3A_261 = tpu.memref_slice %arg6[%dma_wait3A_258, %dma_wait3A_260] : memref<4x16384xf32, #tpu.memory_space<vmem>> -> memref<1x16384xf32, #tpu.memory_space<vmem>>
        %dma_wait3A_262 = tpu.memref_squeeze %dma_wait3A_261 : memref<1x16384xf32, #tpu.memory_space<vmem>> -> memref<16384xf32, #tpu.memory_space<vmem>>
        %dma_wait3A_263 = tpu.memref_slice %arg4[%add3A_257] : memref<33554432xf32, #tpu.memory_space<hbm>> -> memref<16384xf32, #tpu.memory_space<hbm>>
        %dma_wait3A_264 = tpu.memref_slice %arg8[%dma_wait3A_259] : memref<4x!tpu.dma_semaphore, #tpu.memory_space<semaphore_mem>> -> memref<1x!tpu.dma_semaphore, #tpu.memory_space<semaphore_mem>>
        %dma_wait3A_265 = tpu.memref_squeeze %dma_wait3A_264 : memref<1x!tpu.dma_semaphore, #tpu.memory_space<semaphore_mem>> -> memref<!tpu.dma_semaphore, #tpu.memory_space<semaphore_mem>>
        %dma_wait3A_266 = tpu.memref_slice %arg4[%add3A_257] : memref<33554432xf32, #tpu.memory_space<hbm>> -> memref<16384xf32, #tpu.memory_space<hbm>>
        %dma_wait3A_267 = arith.constant 0 : i32
        %dma_wait3A_268 = tpu.memref_slice %arg6[%dma_wait3A_258, %dma_wait3A_267] : memref<4x16384xf32, #tpu.memory_space<vmem>> -> memref<1x16384xf32, #tpu.memory_space<vmem>>
        %dma_wait3A_269 = tpu.memref_squeeze %dma_wait3A_268 : memref<1x16384xf32, #tpu.memory_space<vmem>> -> memref<16384xf32, #tpu.memory_space<vmem>>
        tpu.wait_dma2 semaphore(%dma_wait3A_265 : memref<!tpu.dma_semaphore, #tpu.memory_space<semaphore_mem>>) src(%dma_wait3A_269 : memref<16384xf32, #tpu.memory_space<vmem>>) dst(%dma_wait3A_266 : memref<16384xf32, #tpu.memory_space<hbm>>)
      } else {
      }
      %add3A_247 = arith.constant 2 : i32
      %add3A_248 = arith.addi %add3A_208, %add3A_247 : i32
      %lt3A_249 = arith.constant 64 : i32
      %lt3A_250 = arith.cmpi slt, %add3A_248, %lt3A_249 : i32
      %convert_element_type3A_251 = arith.extui %lt3A_250 : i1 to i32
      %cond3A_252 = arith.constant 0 : i32
      %cond3A_253 = arith.cmpi ne, %convert_element_type3A_251, %cond3A_252 : i32
      scf.if %cond3A_253 {
        %add3A_254 = arith.constant 2 : i32
        %add3A_255 = arith.addi %add3A_208, %add3A_254 : i32
        %mul3A_256 = arith.constant 524288 : i32
        %mul3A_257 = arith.muli %add3A_255, %mul3A_256 : i32
        %add3A_258 = arith.addi %mul3A_257, %mul3A_2 : i32
        %dma_start3A_259 = arith.constant 1 : i32
        %dma_start3A_260 = arith.constant 1 : i32
        %dma_start3A_261 = arith.constant 0 : i32
        %dma_start3A_262 = tpu.memref_slice %arg6[%dma_start3A_259, %dma_start3A_261] : memref<4x16384xf32, #tpu.memory_space<vmem>> -> memref<1x16384xf32, #tpu.memory_space<vmem>>
        %dma_start3A_263 = tpu.memref_squeeze %dma_start3A_262 : memref<1x16384xf32, #tpu.memory_space<vmem>> -> memref<16384xf32, #tpu.memory_space<vmem>>
        %dma_start3A_264 = tpu.memref_slice %arg2[%add3A_258] : memref<33554432xf32, #tpu.memory_space<hbm>> -> memref<16384xf32, #tpu.memory_space<hbm>>
        %dma_start3A_265 = tpu.memref_slice %arg7[%dma_start3A_260] : memref<4x!tpu.dma_semaphore, #tpu.memory_space<semaphore_mem>> -> memref<1x!tpu.dma_semaphore, #tpu.memory_space<semaphore_mem>>
        %dma_start3A_266 = tpu.memref_squeeze %dma_start3A_265 : memref<1x!tpu.dma_semaphore, #tpu.memory_space<semaphore_mem>> -> memref<!tpu.dma_semaphore, #tpu.memory_space<semaphore_mem>>
        %dma_start3A_267 = arith.constant 0 : i32
        %dma_start3A_268 = tpu.memref_slice %arg6[%dma_start3A_259, %dma_start3A_267] : memref<4x16384xf32, #tpu.memory_space<vmem>> -> memref<1x16384xf32, #tpu.memory_space<vmem>>
        %dma_start3A_269 = tpu.memref_squeeze %dma_start3A_268 : memref<1x16384xf32, #tpu.memory_space<vmem>> -> memref<16384xf32, #tpu.memory_space<vmem>>
        %dma_start3A_270 = tpu.memref_slice %arg2[%add3A_258] : memref<33554432xf32, #tpu.memory_space<hbm>> -> memref<16384xf32, #tpu.memory_space<hbm>>
        tpu.enqueue_dma source(%dma_start3A_270 : memref<16384xf32, #tpu.memory_space<hbm>>) target(%dma_start3A_269 : memref<16384xf32, #tpu.memory_space<vmem>>) target_semaphore(%dma_start3A_266 : memref<!tpu.dma_semaphore, #tpu.memory_space<semaphore_mem>>)
      } else {
      }
    }
    %scan3A_34 = arith.constant 16 : i32
    %add3A_35 = arith.constant 32505856 : i32
    %add3A_36 = arith.addi %add3A_35, %mul3A_2 : i32
    %dma_wait3A = arith.constant 2 : i32
    %dma_wait3A_37 = arith.constant 2 : i32
    %dma_wait3A_38 = arith.constant 0 : i32
    %dma_wait3A_39 = tpu.memref_slice %arg6[%dma_wait3A, %dma_wait3A_38] : memref<4x16384xf32, #tpu.memory_space<vmem>> -> memref<1x16384xf32, #tpu.memory_space<vmem>>
    %dma_wait3A_40 = tpu.memref_squeeze %dma_wait3A_39 : memref<1x16384xf32, #tpu.memory_space<vmem>> -> memref<16384xf32, #tpu.memory_space<vmem>>
    %dma_wait3A_41 = tpu.memref_slice %arg4[%add3A_36] : memref<33554432xf32, #tpu.memory_space<hbm>> -> memref<16384xf32, #tpu.memory_space<hbm>>
    %dma_wait3A_42 = tpu.memref_slice %arg8[%dma_wait3A_37] : memref<4x!tpu.dma_semaphore, #tpu.memory_space<semaphore_mem>> -> memref<1x!tpu.dma_semaphore, #tpu.memory_space<semaphore_mem>>
    %dma_wait3A_43 = tpu.memref_squeeze %dma_wait3A_42 : memref<1x!tpu.dma_semaphore, #tpu.memory_space<semaphore_mem>> -> memref<!tpu.dma_semaphore, #tpu.memory_space<semaphore_mem>>
    %dma_wait3A_44 = tpu.memref_slice %arg4[%add3A_36] : memref<33554432xf32, #tpu.memory_space<hbm>> -> memref<16384xf32, #tpu.memory_space<hbm>>
    %dma_wait3A_45 = arith.constant 0 : i32
    %dma_wait3A_46 = tpu.memref_slice %arg6[%dma_wait3A, %dma_wait3A_45] : memref<4x16384xf32, #tpu.memory_space<vmem>> -> memref<1x16384xf32, #tpu.memory_space<vmem>>
    %dma_wait3A_47 = tpu.memref_squeeze %dma_wait3A_46 : memref<1x16384xf32, #tpu.memory_space<vmem>> -> memref<16384xf32, #tpu.memory_space<vmem>>
    tpu.wait_dma2 semaphore(%dma_wait3A_43 : memref<!tpu.dma_semaphore, #tpu.memory_space<semaphore_mem>>) src(%dma_wait3A_47 : memref<16384xf32, #tpu.memory_space<vmem>>) dst(%dma_wait3A_44 : memref<16384xf32, #tpu.memory_space<hbm>>)
    %add3A_48 = arith.constant 33030144 : i32
    %add3A_49 = arith.addi %add3A_48, %mul3A_2 : i32
    %dma_wait3A_50 = arith.constant 3 : i32
    %dma_wait3A_51 = arith.constant 3 : i32
    %dma_wait3A_52 = arith.constant 0 : i32
    %dma_wait3A_53 = tpu.memref_slice %arg6[%dma_wait3A_50, %dma_wait3A_52] : memref<4x16384xf32, #tpu.memory_space<vmem>> -> memref<1x16384xf32, #tpu.memory_space<vmem>>
    %dma_wait3A_54 = tpu.memref_squeeze %dma_wait3A_53 : memref<1x16384xf32, #tpu.memory_space<vmem>> -> memref<16384xf32, #tpu.memory_space<vmem>>
    %dma_wait3A_55 = tpu.memref_slice %arg4[%add3A_49] : memref<33554432xf32, #tpu.memory_space<hbm>> -> memref<16384xf32, #tpu.memory_space<hbm>>
    %dma_wait3A_56 = tpu.memref_slice %arg8[%dma_wait3A_51] : memref<4x!tpu.dma_semaphore, #tpu.memory_space<semaphore_mem>> -> memref<1x!tpu.dma_semaphore, #tpu.memory_space<semaphore_mem>>
    %dma_wait3A_57 = tpu.memref_squeeze %dma_wait3A_56 : memref<1x!tpu.dma_semaphore, #tpu.memory_space<semaphore_mem>> -> memref<!tpu.dma_semaphore, #tpu.memory_space<semaphore_mem>>
    %dma_wait3A_58 = tpu.memref_slice %arg4[%add3A_49] : memref<33554432xf32, #tpu.memory_space<hbm>> -> memref<16384xf32, #tpu.memory_space<hbm>>
    %dma_wait3A_59 = arith.constant 0 : i32
    %dma_wait3A_60 = tpu.memref_slice %arg6[%dma_wait3A_50, %dma_wait3A_59] : memref<4x16384xf32, #tpu.memory_space<vmem>> -> memref<1x16384xf32, #tpu.memory_space<vmem>>
    %dma_wait3A_61 = tpu.memref_squeeze %dma_wait3A_60 : memref<1x16384xf32, #tpu.memory_space<vmem>> -> memref<16384xf32, #tpu.memory_space<vmem>>
    tpu.wait_dma2 semaphore(%dma_wait3A_57 : memref<!tpu.dma_semaphore, #tpu.memory_space<semaphore_mem>>) src(%dma_wait3A_61 : memref<16384xf32, #tpu.memory_space<vmem>>) dst(%dma_wait3A_58 : memref<16384xf32, #tpu.memory_space<hbm>>)
    return
  }
}

</mosaic_0001>

<sc_bundles>
// kernel: kernel.3.cloned.1.call-start
scs
__scs_entry_jumppad:
0x0: {  	(pc) =	sbr.rel $0x88, $3  }
0x1: {  	(tag) =	ssettag $0x0;
	lr =	simm.s32 $0x1  }
0x2: {  	[smem:$0x3F9F] =	sst lr;
	_ =	strace $0xD0000000  }
0x3: {  	_ = 	snop  }
0x4: {  	_ = 	snop  }
0x5: {  	_ = 	snop  }
0x6: {  	_ = 	snop  }
0x7: {  	_ = 	snop  }
__scs_overlays_trampoline_lowered:
0x8: {  	[smem:$0x3FAE] =	sst s0  }
0x9: {  	[smem:$0x3FAF] =	sst s1  }
0xa: {  	[smem:$0x3FB0] =	sst s2  }
0xb: {  	[smem:$0x3FB1] =	sst s3  }
0xc: {  	[smem:$0x3FB2] =	sst s4  }
0xd: {  	[smem:$0x3FB3] =	sst s5  }
0xe: {  	[smem:$0x3FB4] =	sst s6  }
0xf: {  	[smem:$0x3FB5] =	sst s7  }
0x10: {  	[smem:$0x3FB6] =	sst s8  }
0x11: {  	[smem:$0x3FB7] =	sst s9;
	s0 =	simm.s32 @!p0 $0x0  }
0x12: {  	s1 =	sld [smem:$0x3F9D];
	s0 =	simm.s32 @p0 $0x1  }
0x13: {  	[smem:$0x3FB8] =	sst s0;
	s0 =	simm.s32 @!p1 $0x0  }
0x14: {  	s2 =	sld [smem:$0x3F9C];
	s0 =	simm.s32 @p1 $0x1  }
0x15: {  	[smem:$0x3FB9] =	sst s0;
	s0 =	simm.s32 @!p2 $0x0  }
0x16: {  	s3 =	sld [smem:$0x3FDB];
	s0 =	simm.s32 @p2 $0x1  }
0x17: {  	s4 =	simm.s32 $0x1BF5;
	[smem:$0x3FBB] =	sst s0  }
0x18: {  	s0 =	sld [smem:$0x3F9E];
	_ =	swait.ge [sflag:s4], $0x0  }
0x19: {  	s7 =	sld [smem:$0x3F9F]  }
0x1a: {  	s8 =	sadd.s32 $0xFFFFE003, lr  }
0x1b: {  	s9 =	sadd.s32 $0xFFFFFEF7, lr;
	s5 =	simm.s32 $0xFFFFFFFF;
	p2 =	slt.u32 s8, $0xFFFFF086  }
0x1c: {  	p1 =	slt.u32 s9, $0xF7A;
	s5 =	simm.s32 @!p2 $0x0  }
0x1d: {  	s5 =	simm.s32 @p1 $0x1;
	p0 =	seq.s32 s7, s2  }
0x1e: {  	s7 =	smul.u32 @!p0 $0xF7A, s2;
	p2 =	seq.s32 @!p0 s5, $0x0  }
0x1f: {  	s9 =	smul.u32 $0xF7A, s1;
	s8 =	simm.s32 @!p0 $0x1BF5;
	p2 =	por !p2, p0  }
0x20: {  	[sflag:s8] =	ssyncset.s32 @!p0 $0xFFFFF086;
	s6 =	sadd.s32 @!p0 s3, s7;
	s7 =	simm.s32 @!p0 $0x108  }
0x21: {  	s3 =	sadd.s32 s3, s9;
	s6 =	sadd.s32 @!p0 $0x88, s6;
	s7 =	simm.s32 @p2 $0x1082  }
0x22: {  	[simem:s7], [sflag:s8] =	dma.local @!p0 [hbm:s6], $0xF7A  }
0x23: {  	s9 =	sor.u32 $0xD0000000, s2;
	s6 =	simm.s32 $0x108;
	_ =	swait.ge @!p0 [sflag:s8], $0x0  }
0x24: {  	s3 =	sadd.s32 $0x88, s3;
	s6 =	simm.s32 @!p1 $0x1082;
	[sflag:s4] =	ssyncset.s32 $0xFFFFF086  }
0x25: {  	[simem:s6], [sflag:s4] =	dma.local [hbm:s3], $0xF7A  }
0x26: {  	[smem:$0x3F9F] =	sst s1;
	(tag) =	ssettag s2;
	_ =	strace s9  }
0x27: {  	s1 =	sld [smem:$0x3FAF]  }
0x28: {  	s2 =	sld [smem:$0x3FB0]  }
0x29: {  	s4 =	sld [smem:$0x3FB2]  }
0x2a: {  	p0 =	seq.s32 s5, $0x0;
	s5 =	sld [smem:$0x3FB3]  }
0x2b: {  	s6 =	sld [smem:$0x3FB4]  }
0x2c: {  	s7 =	sld [smem:$0x3FB5]  }
0x2d: {  	s3 =	simm.s32 $0x108;
	s8 =	sld [smem:$0x3FB6]  }
0x2e: {  	s3 =	simm.s32 @!p0 $0x1082;
	s9 =	sld [smem:$0x3FB7]  }
0x2f: {  	lr =	sadd.s32 s0, s3;
	s0 =	sld [smem:$0x3FAE]  }
0x30: {  	s3 =	sld [smem:$0x3FB1]  }
0x31: {  	[smem:$0x3FBA] =	sst s10  }
0x32: {  	s10 =	sld [smem:$0x3FB8];
	_ =	sdelay $0x3  }
0x33: {  	p0 =	seq.s32 s10, $0x1;
	s10 =	sld [smem:$0x3FBA];
	_ =	sdelay $0x3  }
0x34: {  	[smem:$0x3FBA] =	sst s10  }
0x35: {  	s10 =	sld [smem:$0x3FB9];
	_ =	sdelay $0x3  }
0x36: {  	p1 =	seq.s32 s10, $0x1;
	s10 =	sld [smem:$0x3FBA];
	_ =	sdelay $0x3  }
0x37: {  	[smem:$0x3FBA] =	sst s10  }
0x38: {  	s10 =	sld [smem:$0x3FBB]  }
0x39: {  	_ = 	snop;
	(pc) =	sbr.ind lr, $3  }
0x3a: {  	_ = 	snop  }
0x3b: {  	_ = 	snop  }
0x3c: {  	p2 =	seq.s32 s10, $0x1;
	s10 =	sld [smem:$0x3FBA]  }
0x3d: {  	_ =	shalt  }
0x3e: {  	_ =	shalt  }
0x3f: {  	_ =	shalt  }
0x40: {  	_ =	shalt  }
0x41: {  	_ =	shalt  }
0x42: {  	_ =	shalt  }
0x43: {  	_ =	shalt  }
0x44: {  	_ =	shalt  }
0x45: {  	_ =	shalt  }
0x46: {  	_ =	shalt  }
0x47: {  	_ =	shalt  }
0x48: {  	_ =	shalt  }
0x49: {  	_ =	shalt  }
0x4a: {  	_ =	shalt  }
0x4b: {  	_ =	shalt  }
0x4c: {  	_ =	shalt  }
0x4d: {  	_ =	shalt  }
0x4e: {  	_ =	shalt  }
0x4f: {  	_ =	shalt  }
0x50: {  	_ =	shalt  }
0x51: {  	_ =	shalt  }
0x52: {  	_ =	shalt  }
0x53: {  	_ =	shalt  }
0x54: {  	_ =	shalt  }
0x55: {  	_ =	shalt  }
0x56: {  	_ =	shalt  }
0x57: {  	_ =	shalt  }
0x58: {  	_ =	shalt  }
0x59: {  	_ =	shalt  }
0x5a: {  	_ =	shalt  }
0x5b: {  	_ =	shalt  }
0x5c: {  	_ =	shalt  }
0x5d: {  	_ =	shalt  }
0x5e: {  	_ =	shalt  }
0x5f: {  	_ =	shalt  }
0x60: {  	_ =	shalt  }
0x61: {  	_ =	shalt  }
0x62: {  	_ =	shalt  }
0x63: {  	_ =	shalt  }
0x64: {  	_ =	shalt  }
0x65: {  	_ =	shalt  }
0x66: {  	_ =	shalt  }
0x67: {  	_ =	shalt  }
0x68: {  	_ =	shalt  }
0x69: {  	_ =	shalt  }
0x6a: {  	_ =	shalt  }
0x6b: {  	_ =	shalt  }
0x6c: {  	_ =	shalt  }
0x6d: {  	_ =	shalt  }
0x6e: {  	_ =	shalt  }
0x6f: {  	_ =	shalt  }
0x70: {  	_ =	shalt  }
0x71: {  	_ =	shalt  }
0x72: {  	_ =	shalt  }
0x73: {  	_ =	shalt  }
0x74: {  	_ =	shalt  }
0x75: {  	_ =	shalt  }
0x76: {  	_ =	shalt  }
0x77: {  	_ =	shalt  }
0x78: {  	_ =	shalt  }
0x79: {  	_ =	shalt  }
0x7a: {  	_ =	shalt  }
0x7b: {  	_ =	shalt  }
0x7c: {  	_ =	shalt  }
0x7d: {  	_ =	shalt  }
0x7e: {  	_ =	shalt  }
0x7f: {  	_ =	shalt  }
0x80: {  	_ =	shalt  }
0x81: {  	_ =	shalt  }
0x82: {  	_ =	shalt  }
0x83: {  	_ =	shalt  }
0x84: {  	_ =	shalt  }
0x85: {  	_ =	shalt  }
0x86: {  	_ =	shalt  }
0x87: {  	_ =	shalt  }
.Lfunc_end0:
.L_simem_size_0:
called_computation_lowered:
.L_overlay_start_0:
0x88: {  	s2 =	sld [smem:$0x3FD9]  }
0x89: {  	s3 =	sld [smem:$0x3FFE];
	_ =	sdelay $0x1  }
0x8a: {  	s1 =	srdreg.scid  }
0x8b: {  	s0 =	sand.u32 $0x1, s1  }
0x8c: {  	s18 =	sshll.u32 s0, $0xA;
	s2 =	sadd.s32 s3, s2  }
0x8d: {  	s2 =	sadd.s32 s2, s18  }
0x8e: {  	[smem:$0x3FC6] =	sst s2  }
0x8f: {  	_ = 	snop  }
0x90: {  	s2 =	sld [smem:$0x3FC9]  }
0x91: {  	s19 =	sld [smem:$0x3FC8]  }
0x92: {  	s4 =	sld [smem:$0x3FD0];
	(tm) =	ssettm $0x1  }
0x93: {  	s5 =	sld [smem:$0x3FFB];
	_ =	sdelay $0x3  }
0x94: {  	_ =	strace s5  }
0x95: {  	s5 =	sld [smem:$0x3FFC];
	_ =	sdelay $0x3  }
0x96: {  	_ =	strace s5  }
0x97: {  	s5 =	sld [smem:$0x3FFD];
	_ =	sdelay $0x3  }
0x98: {  	_ =	strace s5  }
0x99: {  	_ =	strace $0x8FFFFFFF  }
0x9a: {  	s20 =	sld [smem:$0x3FDB];
	_ =	sdelay $0x1  }
0x9b: {  	s6 =	simm.s32 $_scs_section_size  }
0x9c: {  	s7 =	simm.s32 $_size__tile_overlayer_lowered;
	s8 =	simm.s32 $_tile_overlayer_lowered  }
0x9d: {  	s23 =	simm.s32 $0x1BFF;
	s22 =	sshll.u32 s8, $0x1;
	s5 =	sadd.s32 s6, s20  }
0x9e: {  	s9 =	simm.s32 $0x0;
	s21 =	sshll.u32 s7, $0x1;
	s7 =	sadd.s32 s22, s5  }
0x9f: {  	[timem:s9], [sflag:s23] =	dma.local [hbm:s7], s21  }
0xa0: {  	_ =	swait.ge [sflag:s23], s21  }
0xa1: {  	s6 =	ssub.s32 $0x0, s21;
	[sflag:s23] =	ssyncset.done $0x0  }
0xa2: {  	[sflag:s23] =	ssyncadd.s32 s6;
	_ =	sdelay $0x1  }
0xa3: {  	s24 =	simm.s32 $0x1B8B  }
0xa4: {  	_ =	swait.ge [sflag:s24], $0x1  }
0xa5: {  	[sflag:s24] =	ssyncset.done $0x0  }
0xa6: {  	s25 =	simm.s32 $0x1B8E;
	[sflag:s24] =	ssyncadd.s32 $0xFFFFFFFF  }
0xa7: {  	s26 =	simm.s32 $execute0_lowered;
	[smem:$0x3FD2] =	sst s25  }
0xa8: {  	s6 =	sshll.u32 s26, $0x1;
	_ =	strace $0x80000046;
	[dreg:$0x1] =	wrdreg $0xFFFFFFFF  }
0xa9: {  	s28 =	simm.s32 $_size_execute0_lowered;
	s5 =	sadd.s32 s5, s6;
	[dreg:$0x0] =	wrdreg $0x0  }
0xaa: {  	s6 =	sshll.u32 s28, $0x1;
	[dreg:$0x2] =	wrdreg s5  }
0xab: {  	[dreg:$0x3] =	wrdreg s6  }
0xac: {  	[dreg:$0x4] =	wrdreg $0xC0  }
0xad: {  	_ =	task [dreg:s9], $0x5FFFF  }
0xae: {  	[dreg:$0x1] =	wrdreg $0xFFFFFFFF  }
0xaf: {  	[dreg:$0x0] =	wrdreg $0x60  }
0xb0: {  	[dreg:$0x2] =	wrdreg s2  }
0xb1: {  	[dreg:$0x3] =	wrdreg s19  }
0xb2: {  	[dreg:$0x4] =	wrdreg s4  }
0xb3: {  	[dreg:$0x5] =	wrdreg $0x9  }
0xb4: {  	_ =	task.clear_ibuf [dreg:s9], $0x6FFFF;
	_ =	strace $0x90000046  }
0xb5: {  	s29 =	simm.s32 $0x9;
	_ =	strace $0x80000048  }
0xb6: {  	_ =	swait.ge [sflag:s29], $0x1  }
0xb7: {  	[sflag:s29] =	ssyncadd.s32 $0xFFFFFFFF  }
0xb8: {  	_ =	strace $0x90000048  }
0xb9: {  	_ =	sfence  }
0xba: {  	s30 =	sld [smem:$0x0];
	_ =	sdelay $0x2  }
0xbb: {  	s31 =	sshll.u32 s1, $0xD;
	s1 =	sshrl.u32 s1, $0x2  }
0xbc: {  	s3 =	sand.u32 $0x4000, s31;
	s1 =	sadd.s32 s1, s30  }
0xbd: {  	s0 =	sor.u32 s3, s0;
	s1 =	sshll.u32 s1, $0x11  }
0xbe: {  	s0 =	sor.u32 s1, s0  }
0xbf: {  	s0 =	sadd.s32 $0x8F2B, s0  }
0xc0: {  	[sflag:s0] =	ssyncadd.remote.s32 $0x1  }
0xc1: {  	_ =	sfence.sel $0xFFFF  }
0xc2: {  	[dreg:$0x0] =	wrdreg $0xFFFFFFFF;
	(pc) =	sbr.abs _section_cstart, $3  }
0xc3: {  	[dreg:$0x1] =	wrdreg $0xFFFFFFFF  }
0xc4: {  	_ =	task.clear_ibuf [dreg:s9], $0x2FFFF;
	_ =	strace $0x9FFFFFFF  }
0xc5: {  	(tm) =	ssettm $0x7FFFFFFF  }
tec
execute0_lowered:
.L_overlay_start_1:
0x0: {  	(tag) =	ssettag $0x1  }
0x1: {  	s1 =	rddreg [dreg:$0x0]  }
0x2: {  	s0 =	rddreg [dreg:$0x1]  }
0x3: {  	s3 =	rddreg [dreg:$0x2];
	s4 =	srdreg.scid  }
0x4: {  	s2 =	stileid.u32;
	s13 =	simm.s32 $0x9;
	s14 =	simm.s32 $0x1  }
0x5: {  	s15 =	simm.s32 $0x2;
	s16 =	simm.s32 $0x3;
	s17 =	simm.s32 $0x5  }
0x6: {  	s18 =	simm.s32 $0x4;
	s19 =	simm.s32 $0x6;
	s20 =	simm.s32 $0x7  }
0x7: {  	s21 =	simm.s32 $0x8;
	s22 =	simm.s32 $0x0;
	s5 =	sand.u32 $0x1, s4  }
0x8: {  	s4 =	simm.s32 $0x0;
	s6 =	sshll.u32 s2, $0xF;
	s11 =	sadd.s32 $0x10000, s3  }
.Ltmp0:
0x9: {  	s7 =	sshll.u32 s5, $0xE;
	s8 =	ssub.s32 $0x2, s5;
	(pc) =	sbr.rel .LBB2_1-.Ltmp0, $4  }
0xa: {  	[smem:$0x7FF] =	sst s4;
	s5 =	sor.u32 s7, s6;
	s31 =	sshrl.u32 s8, $0x1  }
0xb: {  	_ =	strace $0x80000047;
	s7 =	sshrl.u32 s5, $0x3;
	s12 =	ssub.s32 s8, s31  }
0xc: {  	s9 =	sor.u32 $0x200000, s5;
	s6 =	sadd.s32 s0, s7;
	s7 =	sadd.s32 s1, s7  }
0xd: {  	s10 =	sor.u32 $0x280000, s5;
	s12 =	smax.u32 s12, $0x1;
	s8 =	sadd.s32 $0x10000, s7  }
.LBB2_34:
0xe: {  	s22 =	sadd.s32 $0x1, s22  }
0xf: {  	_ =	swait.ge [sflag:s20], $0x4000;
	p0 =	sne.s32 s22, s12  }
.Ltmp1:
0x10: {  	[sflag:s20] =	ssyncset.done $0x0;
	(pc) =	sbr.rel @!p0 .LBB2_35-.Ltmp1, $4  }
0x11: {  	[sflag:s20] =	ssyncadd.s32 $0xFFFFC000  }
0x12: {  	_ =	swait.ge [sflag:s21], $0x4000  }
0x13: {  	[sflag:s21] =	ssyncset.done $0x0  }
0x14: {  	[sflag:s21] =	ssyncadd.s32 $0xFFFFC000  }
.LBB2_1:
0x15: {  	[tilespmem:s4], [sflag:$0x9] =	stream.linear.gather [hbm4b:s6+s4], $0x4000, $0x38;
	[tilespmem:$0x14000] =	vst v63  }
0x16: {  	_ =	swait.ge [sflag:s13], $0x4000  }
0x17: {  	s23 =	simm.s32 $0x4000;
	s24 =	simm.s32 $0x10;
	[sflag:s13] =	ssyncset.done $0x0  }
0x18: {  	s26 =	sadd.s32 $0x0, s7;
	s25 =	simm.s32 $0x4200;
	[sflag:s13] =	ssyncadd.s32 $0xFFFFC000  }
.LBB2_2:
0x19: {  	[tilespmem:s23], [sflag:$0x1] =	stream.linear.gather [hbm4b:s26+s4], $0x80, $0x38;
	[tilespmem:$0x14000] =	vst v63  }
0x1a: {  	s0 =	smov.u32 s24;
	s23 =	smov.u32 s25;
	p0 =	sne.s32 s24, $0x7F0  }
.Ltmp2:
0x1b: {  	s24 =	sadd.s32 $0x10, s24;
	(pc) =	sbr.rel @p0 .LBB2_2-.Ltmp2, $2  }
0x1c: {  	_ =	sdelay $0x2  }
0x1d: {  	s25 =	sadd.s32 $0x200, s25;
	s26 =	sadd.s32 s0, s7  }
0x1e: {  	[tilespmem:s23], [sflag:$0x1] =	stream.linear.gather [hbm4b:s26+s4], $0x80, $0x38;
	[tilespmem:$0x14000] =	vst v63  }
0x1f: {  	s23 =	simm.s32 $0x0;
	s24 =	simm.s32 $0x4080  }
0x20: {  	s25 =	simm.s32 $0x10;
	s28 =	sadd.s32 $0x0, s8;
	s26 =	simm.s32 $0x4280  }
.LBB2_4:
0x21: {  	[tilespmem:s24], [sflag:$0x2] =	stream.linear.gather [hbm4b:s28+s23], $0x80, $0x38;
	[tilespmem:$0x14000] =	vst v63  }
0x22: {  	s0 =	smov.u32 s25;
	s24 =	smov.u32 s26;
	p0 =	sne.s32 s25, $0x7F0  }
.Ltmp3:
0x23: {  	s25 =	sadd.s32 $0x10, s25;
	(pc) =	sbr.rel @p0 .LBB2_4-.Ltmp3, $2  }
0x24: {  	_ =	sdelay $0x2  }
0x25: {  	s26 =	sadd.s32 $0x200, s26;
	s28 =	sadd.s32 s0, s8  }
0x26: {  	[tilespmem:s24], [sflag:$0x2] =	stream.linear.gather [hbm4b:s28+s23], $0x80, $0x38;
	[tilespmem:$0x14000] =	vst v63  }
.LBB2_6:
0x27: {  	_ =	swait.ge [sflag:s14], $0x4000  }
0x28: {  	[sflag:s14] =	ssyncset.done $0x0  }
0x29: {  	s0 =	simm.s32 $0x40;
	[sflag:s14] =	ssyncadd.s32 $0xFFFFC000  }
0x2a: {  	v0 =	vld [tilespmem:s0+$0x30]  }
0x2b: {  	v1 =	vld [tilespmem:s0+$0xFFFFFFD0]  }
0x2c: {  	v2 =	vld [tilespmem:s0+$0xFFFFFFE0]  }
0x2d: {  	v3 =	vld [tilespmem:s0+$0xFFFFFFF0]  }
0x2e: {  	v4 =	vld [tilespmem:s0+$0x0]  }
0x2f: {  	v63 =	vld [tilespmem:s0+$0x10]  }
0x30: {  	v5 =	vld [tilespmem:s0+$0x20]  }
0x31: {  	s24 =	simm.s32 $0x4070;
	v6 =	vld [tilespmem:s0+$0xFFFFFFC0]  }
0x32: {  	[tilespmem:s24+$0x0] =	vst.add.f32.msk $0xffff, v0  }
0x33: {  	[tilespmem:s24+$0xFFFFFFA0] =	vst.add.f32.msk $0xffff, v1  }
0x34: {  	[tilespmem:s24+$0xFFFFFFB0] =	vst.add.f32.msk $0xffff, v2  }
0x35: {  	[tilespmem:s24+$0xFFFFFFC0] =	vst.add.f32.msk $0xffff, v3  }
0x36: {  	[tilespmem:s24+$0xFFFFFFD0] =	vst.add.f32.msk $0xffff, v4  }
0x37: {  	[tilespmem:s24+$0xFFFFFF90] =	vst.add.f32.msk $0xffff, v6  }
0x38: {  	[tilespmem:s24+$0xFFFFFFE0] =	vst.add.f32.msk $0xffff, v63  }
0x39: {  	s25 =	simm.s32 $0x0;
	s26 =	simm.s32 $0xC0;
	[tilespmem:s24+$0xFFFFFFF0] =	vst.add.f32.msk $0xffff, v5  }
.LBB2_7:
0x3a: {  	v0 =	vld [tilespmem:s26+$0x30];
	s25 =	sadd.s32 $0x80, s25  }
0x3b: {  	v1 =	vld [tilespmem:s26+$0xFFFFFFD0];
	p0 =	slt.u32 s25, $0x3F80  }
0x3c: {  	v2 =	vld [tilespmem:s26+$0xFFFFFFE0]  }
0x3d: {  	v3 =	vld [tilespmem:s26+$0xFFFFFFF0]  }
0x3e: {  	s24 =	sadd.s32 $0x200, s24;
	v4 =	vld [tilespmem:s26+$0x0]  }
0x3f: {  	[tilespmem:s24+$0x0] =	vst.add.f32.msk $0xffff, v0  }
0x40: {  	v0 =	vld [tilespmem:s26+$0x10]  }
0x41: {  	v5 =	vld [tilespmem:s26+$0x20]  }
0x42: {  	v6 =	vld [tilespmem:s26+$0xFFFFFFC0]  }
0x43: {  	[tilespmem:s24+$0xFFFFFFA0] =	vst.add.f32.msk $0xffff, v1  }
0x44: {  	[tilespmem:s24+$0xFFFFFFB0] =	vst.add.f32.msk $0xffff, v2  }
.Ltmp4:
0x45: {  	[tilespmem:s24+$0xFFFFFFC0] =	vst.add.f32.msk $0xffff, v3;
	(pc) =	sbr.rel @p0 .LBB2_7-.Ltmp4, $4  }
0x46: {  	[tilespmem:s24+$0xFFFFFFD0] =	vst.add.f32.msk $0xffff, v4  }
0x47: {  	[tilespmem:s24+$0xFFFFFF90] =	vst.add.f32.msk $0xffff, v6  }
0x48: {  	[tilespmem:s24+$0xFFFFFFE0] =	vst.add.f32.msk $0xffff, v0  }
0x49: {  	s26 =	sadd.s32 $0x80, s26;
	[tilespmem:s24+$0xFFFFFFF0] =	vst.add.f32.msk $0xffff, v5  }
0x4a: {  	s24 =	sshll.u32 s23, $0x15  }
0x4b: {  	s0 =	sor.u32 s5, s24  }
0x4c: {  	s25 =	sshrl.u32 s0, $0x3  }
0x4d: {  	s28 =	simm.s32 $0x4000;
	s26 =	sadd.s32 s3, s25  }
0x4e: {  	s29 =	simm.s32 $0x10;
	s30 =	simm.s32 $0x4200;
	s31 =	sadd.s32 $0x0, s26  }
.LBB2_9:
0x4f: {  	[hbm4b:s31+s4] =	stream.linear.scatter [tilespmem:s28], [sflag:$0x5], $0x80, $0x38;
	[tilespmem:$0x14000] =	vst v63  }
0x50: {  	s0 =	smov.u32 s29;
	s28 =	smov.u32 s30;
	p0 =	sne.s32 s29, $0x7F0  }
.Ltmp5:
0x51: {  	s29 =	sadd.s32 $0x10, s29;
	(pc) =	sbr.rel @p0 .LBB2_9-.Ltmp5, $2  }
0x52: {  	_ =	sdelay $0x2  }
0x53: {  	s30 =	sadd.s32 $0x200, s30;
	s31 =	sadd.s32 s0, s26  }
0x54: {  	[hbm4b:s31+s4] =	stream.linear.scatter [tilespmem:s28], [sflag:$0x5], $0x80, $0x38;
	[tilespmem:$0x14000] =	vst v63  }
0x55: {  	p0 =	seq.s32 s23, $0x0  }
0x56: {  	s0 =	simm.s32 @!p0 $0x7  }
0x57: {  	s26 =	sor.u32 $0x20000, s25;
	s29 =	simm.s32 $0x4100;
	_ =	swait.ge @!p0 [sflag:s0], $0x4000  }
0x58: {  	s30 =	simm.s32 $0x10;
	s28 =	sadd.s32 s1, s26;
	[sflag:s0] =	ssyncset.done @!p0 $0x0  }
0x59: {  	s31 =	simm.s32 $0x4300;
	[sflag:s0] =	ssyncadd.s32 @!p0 $0xFFFFC000;
	s0 =	sadd.s32 $0x0, s28  }
.LBB2_11:
0x5a: {  	[tilespmem:s29], [sflag:$0x3] =	stream.linear.gather [hbm4b:s0+s4], $0x80, $0x38;
	[tilespmem:$0x14000] =	vst v63  }
0x5b: {  	s0 =	smov.u32 s30;
	s29 =	smov.u32 s31;
	p1 =	sne.s32 s30, $0x7F0  }
.Ltmp6:
0x5c: {  	s30 =	sadd.s32 $0x10, s30;
	(pc) =	sbr.rel @p1 .LBB2_11-.Ltmp6, $2  }
0x5d: {  	_ =	sdelay $0x2  }
0x5e: {  	s31 =	sadd.s32 $0x200, s31;
	s0 =	sadd.s32 s0, s28  }
0x5f: {  	[tilespmem:s29], [sflag:$0x3] =	stream.linear.gather [hbm4b:s0+s4], $0x80, $0x38;
	[tilespmem:$0x14000] =	vst v63  }
0x60: {  	_ =	swait.ge [sflag:s15], $0x4000  }
0x61: {  	[sflag:s15] =	ssyncset.done $0x0  }
0x62: {  	s31 =	simm.s32 $0x40;
	[sflag:s15] =	ssyncadd.s32 $0xFFFFC000  }
0x63: {  	v0 =	vld [tilespmem:s31+$0x30]  }
0x64: {  	v1 =	vld [tilespmem:s31+$0xFFFFFFD0]  }
0x65: {  	v2 =	vld [tilespmem:s31+$0xFFFFFFE0]  }
0x66: {  	v3 =	vld [tilespmem:s31+$0xFFFFFFF0]  }
0x67: {  	v4 =	vld [tilespmem:s31+$0x0]  }
0x68: {  	v63 =	vld [tilespmem:s31+$0x10]  }
0x69: {  	v5 =	vld [tilespmem:s31+$0x20]  }
0x6a: {  	s28 =	simm.s32 $0x40F0;
	v6 =	vld [tilespmem:s31+$0xFFFFFFC0]  }
0x6b: {  	[tilespmem:s28+$0x0] =	vst.add.f32.msk $0xffff, v0  }
0x6c: {  	[tilespmem:s28+$0xFFFFFFA0] =	vst.add.f32.msk $0xffff, v1  }
0x6d: {  	[tilespmem:s28+$0xFFFFFFB0] =	vst.add.f32.msk $0xffff, v2  }
0x6e: {  	[tilespmem:s28+$0xFFFFFFC0] =	vst.add.f32.msk $0xffff, v3  }
0x6f: {  	[tilespmem:s28+$0xFFFFFFD0] =	vst.add.f32.msk $0xffff, v4  }
0x70: {  	[tilespmem:s28+$0xFFFFFF90] =	vst.add.f32.msk $0xffff, v6  }
0x71: {  	[tilespmem:s28+$0xFFFFFFE0] =	vst.add.f32.msk $0xffff, v63  }
0x72: {  	s29 =	simm.s32 $0x0;
	s30 =	simm.s32 $0xC0;
	[tilespmem:s28+$0xFFFFFFF0] =	vst.add.f32.msk $0xffff, v5  }
.LBB2_13:
0x73: {  	v0 =	vld [tilespmem:s30+$0x30];
	s29 =	sadd.s32 $0x80, s29  }
0x74: {  	v1 =	vld [tilespmem:s30+$0xFFFFFFD0];
	p1 =	slt.u32 s29, $0x3F80  }
0x75: {  	v2 =	vld [tilespmem:s30+$0xFFFFFFE0]  }
0x76: {  	v3 =	vld [tilespmem:s30+$0xFFFFFFF0]  }
0x77: {  	s28 =	sadd.s32 $0x200, s28;
	v4 =	vld [tilespmem:s30+$0x0]  }
0x78: {  	[tilespmem:s28+$0x0] =	vst.add.f32.msk $0xffff, v0  }
0x79: {  	v0 =	vld [tilespmem:s30+$0x10]  }
0x7a: {  	v5 =	vld [tilespmem:s30+$0x20]  }
0x7b: {  	v6 =	vld [tilespmem:s30+$0xFFFFFFC0]  }
0x7c: {  	[tilespmem:s28+$0xFFFFFFA0] =	vst.add.f32.msk $0xffff, v1  }
0x7d: {  	[tilespmem:s28+$0xFFFFFFB0] =	vst.add.f32.msk $0xffff, v2  }
.Ltmp7:
0x7e: {  	[tilespmem:s28+$0xFFFFFFC0] =	vst.add.f32.msk $0xffff, v3;
	(pc) =	sbr.rel @p1 .LBB2_13-.Ltmp7, $4  }
0x7f: {  	[tilespmem:s28+$0xFFFFFFD0] =	vst.add.f32.msk $0xffff, v4  }
0x80: {  	[tilespmem:s28+$0xFFFFFF90] =	vst.add.f32.msk $0xffff, v6  }
0x81: {  	[tilespmem:s28+$0xFFFFFFE0] =	vst.add.f32.msk $0xffff, v0  }
0x82: {  	s30 =	sadd.s32 $0x80, s30;
	[tilespmem:s28+$0xFFFFFFF0] =	vst.add.f32.msk $0xffff, v5  }
0x83: {  	s28 =	sadd.s32 s25, s11;
	s29 =	simm.s32 $0x4080  }
0x84: {  	s30 =	simm.s32 $0x10;
	s31 =	simm.s32 $0x4280;
	s0 =	sadd.s32 $0x0, s28  }
.LBB2_15:
0x85: {  	[hbm4b:s0+s4] =	stream.linear.scatter [tilespmem:s29], [sflag:$0x6], $0x80, $0x38;
	[tilespmem:$0x14000] =	vst v63  }
0x86: {  	s0 =	smov.u32 s30;
	s29 =	smov.u32 s31;
	p1 =	sne.s32 s30, $0x7F0  }
.Ltmp8:
0x87: {  	s30 =	sadd.s32 $0x10, s30;
	(pc) =	sbr.rel @p1 .LBB2_15-.Ltmp8, $2  }
0x88: {  	_ =	sdelay $0x2  }
0x89: {  	s31 =	sadd.s32 $0x200, s31;
	s0 =	sadd.s32 s0, s28  }
0x8a: {  	[hbm4b:s0+s4] =	stream.linear.scatter [tilespmem:s29], [sflag:$0x6], $0x80, $0x38;
	[tilespmem:$0x14000] =	vst v63  }
0x8b: {  	s0 =	simm.s32 @!p0 $0x8  }
0x8c: {  	s25 =	sor.u32 $0x30000, s25;
	s29 =	simm.s32 $0x4180;
	_ =	swait.ge @!p0 [sflag:s0], $0x4000  }
0x8d: {  	s30 =	simm.s32 $0x10;
	s28 =	sadd.s32 s1, s25;
	[sflag:s0] =	ssyncset.done @!p0 $0x0  }
0x8e: {  	s31 =	simm.s32 $0x4380;
	[sflag:s0] =	ssyncadd.s32 @!p0 $0xFFFFC000;
	s0 =	sadd.s32 $0x0, s28  }
.LBB2_17:
0x8f: {  	[tilespmem:s29], [sflag:$0x4] =	stream.linear.gather [hbm4b:s0+s4], $0x80, $0x38;
	[tilespmem:$0x14000] =	vst v63  }
0x90: {  	s0 =	smov.u32 s30;
	s29 =	smov.u32 s31;
	p0 =	sne.s32 s30, $0x7F0  }
.Ltmp9:
0x91: {  	s30 =	sadd.s32 $0x10, s30;
	(pc) =	sbr.rel @p0 .LBB2_17-.Ltmp9, $2  }
0x92: {  	_ =	sdelay $0x2  }
0x93: {  	s31 =	sadd.s32 $0x200, s31;
	s0 =	sadd.s32 s0, s28  }
0x94: {  	[tilespmem:s29], [sflag:$0x4] =	stream.linear.gather [hbm4b:s0+s4], $0x80, $0x38;
	[tilespmem:$0x14000] =	vst v63  }
0x95: {  	_ =	swait.ge [sflag:s16], $0x4000  }
0x96: {  	[sflag:s16] =	ssyncset.done $0x0  }
0x97: {  	s31 =	simm.s32 $0x40;
	[sflag:s16] =	ssyncadd.s32 $0xFFFFC000  }
0x98: {  	v0 =	vld [tilespmem:s31+$0x30]  }
0x99: {  	v1 =	vld [tilespmem:s31+$0xFFFFFFD0]  }
0x9a: {  	v2 =	vld [tilespmem:s31+$0xFFFFFFE0]  }
0x9b: {  	v3 =	vld [tilespmem:s31+$0xFFFFFFF0]  }
0x9c: {  	v4 =	vld [tilespmem:s31+$0x0]  }
0x9d: {  	v63 =	vld [tilespmem:s31+$0x10]  }
0x9e: {  	v5 =	vld [tilespmem:s31+$0x20]  }
0x9f: {  	s28 =	simm.s32 $0x4170;
	v6 =	vld [tilespmem:s31+$0xFFFFFFC0]  }
0xa0: {  	[tilespmem:s28+$0x0] =	vst.add.f32.msk $0xffff, v0  }
0xa1: {  	[tilespmem:s28+$0xFFFFFFA0] =	vst.add.f32.msk $0xffff, v1  }
0xa2: {  	[tilespmem:s28+$0xFFFFFFB0] =	vst.add.f32.msk $0xffff, v2  }
0xa3: {  	[tilespmem:s28+$0xFFFFFFC0] =	vst.add.f32.msk $0xffff, v3  }
0xa4: {  	[tilespmem:s28+$0xFFFFFFD0] =	vst.add.f32.msk $0xffff, v4  }
0xa5: {  	[tilespmem:s28+$0xFFFFFF90] =	vst.add.f32.msk $0xffff, v6  }
0xa6: {  	[tilespmem:s28+$0xFFFFFFE0] =	vst.add.f32.msk $0xffff, v63  }
0xa7: {  	s29 =	simm.s32 $0x0;
	s30 =	simm.s32 $0xC0;
	[tilespmem:s28+$0xFFFFFFF0] =	vst.add.f32.msk $0xffff, v5  }
.LBB2_19:
0xa8: {  	v0 =	vld [tilespmem:s30+$0x30];
	s29 =	sadd.s32 $0x80, s29  }
0xa9: {  	v1 =	vld [tilespmem:s30+$0xFFFFFFD0];
	p0 =	slt.u32 s29, $0x3F80  }
0xaa: {  	v2 =	vld [tilespmem:s30+$0xFFFFFFE0]  }
0xab: {  	v3 =	vld [tilespmem:s30+$0xFFFFFFF0]  }
0xac: {  	s28 =	sadd.s32 $0x200, s28;
	v4 =	vld [tilespmem:s30+$0x0]  }
0xad: {  	[tilespmem:s28+$0x0] =	vst.add.f32.msk $0xffff, v0  }
0xae: {  	v0 =	vld [tilespmem:s30+$0x10]  }
0xaf: {  	v5 =	vld [tilespmem:s30+$0x20]  }
0xb0: {  	v6 =	vld [tilespmem:s30+$0xFFFFFFC0]  }
0xb1: {  	[tilespmem:s28+$0xFFFFFFA0] =	vst.add.f32.msk $0xffff, v1  }
0xb2: {  	[tilespmem:s28+$0xFFFFFFB0] =	vst.add.f32.msk $0xffff, v2  }
.Ltmp10:
0xb3: {  	[tilespmem:s28+$0xFFFFFFC0] =	vst.add.f32.msk $0xffff, v3;
	(pc) =	sbr.rel @p0 .LBB2_19-.Ltmp10, $4  }
0xb4: {  	[tilespmem:s28+$0xFFFFFFD0] =	vst.add.f32.msk $0xffff, v4  }
0xb5: {  	[tilespmem:s28+$0xFFFFFF90] =	vst.add.f32.msk $0xffff, v6  }
0xb6: {  	[tilespmem:s28+$0xFFFFFFE0] =	vst.add.f32.msk $0xffff, v0  }
0xb7: {  	s30 =	sadd.s32 $0x80, s30;
	[tilespmem:s28+$0xFFFFFFF0] =	vst.add.f32.msk $0xffff, v5  }
0xb8: {  	s26 =	sadd.s32 s3, s26;
	s28 =	simm.s32 $0x4100  }
0xb9: {  	s29 =	simm.s32 $0x10;
	s30 =	simm.s32 $0x4300;
	s0 =	sadd.s32 $0x0, s26  }
.LBB2_21:
0xba: {  	[hbm4b:s0+s4] =	stream.linear.scatter [tilespmem:s28], [sflag:$0x7], $0x80, $0x38;
	[tilespmem:$0x14000] =	vst v63  }
0xbb: {  	s0 =	smov.u32 s29;
	s28 =	smov.u32 s30;
	p0 =	sne.s32 s29, $0x7F0  }
.Ltmp11:
0xbc: {  	s29 =	sadd.s32 $0x10, s29;
	(pc) =	sbr.rel @p0 .LBB2_21-.Ltmp11, $2  }
0xbd: {  	_ =	sdelay $0x2  }
0xbe: {  	s30 =	sadd.s32 $0x200, s30;
	s0 =	sadd.s32 s0, s26  }
0xbf: {  	p0 =	seq.s32 s23, $0xF  }
.Ltmp12:
0xc0: {  	_ = 	snop;
	(pc) =	sbr.rel @p0 .LBB2_26-.Ltmp12, $4  }
0xc1: {  	[hbm4b:s0+s4] =	stream.linear.scatter [tilespmem:s28], [sflag:$0x7], $0x80, $0x38;
	[tilespmem:$0x14000] =	vst v63  }
0xc2: {  	_ =	swait.ge [sflag:s17], $0x4000  }
0xc3: {  	[sflag:s17] =	ssyncset.done $0x0  }
0xc4: {  	[sflag:s17] =	ssyncadd.s32 $0xFFFFC000  }
0xc5: {  	s0 =	sadd.s32 s9, s24  }
0xc6: {  	s0 =	sshrl.u32 s0, $0x3  }
0xc7: {  	s28 =	simm.s32 $0x4000;
	s26 =	sadd.s32 s1, s0  }
0xc8: {  	s29 =	simm.s32 $0x10;
	s30 =	simm.s32 $0x4200;
	s0 =	sadd.s32 $0x0, s26  }
.LBB2_24:
0xc9: {  	[tilespmem:s28], [sflag:$0x1] =	stream.linear.gather [hbm4b:s0+s4], $0x80, $0x38;
	[tilespmem:$0x14000] =	vst v63  }
0xca: {  	s0 =	smov.u32 s29;
	s28 =	smov.u32 s30;
	p1 =	sne.s32 s29, $0x7F0  }
.Ltmp13:
0xcb: {  	s29 =	sadd.s32 $0x10, s29;
	(pc) =	sbr.rel @p1 .LBB2_24-.Ltmp13, $2  }
0xcc: {  	_ =	sdelay $0x2  }
0xcd: {  	s30 =	sadd.s32 $0x200, s30;
	s0 =	sadd.s32 s0, s26  }
0xce: {  	[tilespmem:s28], [sflag:$0x1] =	stream.linear.gather [hbm4b:s0+s4], $0x80, $0x38;
	[tilespmem:$0x14000] =	vst v63  }
.LBB2_26:
0xcf: {  	_ =	swait.ge [sflag:s18], $0x4000  }
0xd0: {  	[sflag:s18] =	ssyncset.done $0x0  }
0xd1: {  	s0 =	simm.s32 $0x40;
	[sflag:s18] =	ssyncadd.s32 $0xFFFFC000  }
0xd2: {  	v0 =	vld [tilespmem:s0+$0x30]  }
0xd3: {  	v1 =	vld [tilespmem:s0+$0xFFFFFFD0]  }
0xd4: {  	v2 =	vld [tilespmem:s0+$0xFFFFFFE0]  }
0xd5: {  	v3 =	vld [tilespmem:s0+$0xFFFFFFF0]  }
0xd6: {  	v4 =	vld [tilespmem:s0+$0x0]  }
0xd7: {  	v63 =	vld [tilespmem:s0+$0x10]  }
0xd8: {  	v5 =	vld [tilespmem:s0+$0x20]  }
0xd9: {  	s26 =	simm.s32 $0x41F0;
	v6 =	vld [tilespmem:s0+$0xFFFFFFC0]  }
0xda: {  	[tilespmem:s26+$0x0] =	vst.add.f32.msk $0xffff, v0  }
0xdb: {  	[tilespmem:s26+$0xFFFFFFA0] =	vst.add.f32.msk $0xffff, v1  }
0xdc: {  	[tilespmem:s26+$0xFFFFFFB0] =	vst.add.f32.msk $0xffff, v2  }
0xdd: {  	[tilespmem:s26+$0xFFFFFFC0] =	vst.add.f32.msk $0xffff, v3  }
0xde: {  	[tilespmem:s26+$0xFFFFFFD0] =	vst.add.f32.msk $0xffff, v4  }
0xdf: {  	[tilespmem:s26+$0xFFFFFF90] =	vst.add.f32.msk $0xffff, v6  }
0xe0: {  	[tilespmem:s26+$0xFFFFFFE0] =	vst.add.f32.msk $0xffff, v63  }
0xe1: {  	s28 =	simm.s32 $0x0;
	s29 =	simm.s32 $0xC0;
	[tilespmem:s26+$0xFFFFFFF0] =	vst.add.f32.msk $0xffff, v5  }
.LBB2_27:
0xe2: {  	v0 =	vld [tilespmem:s29+$0x30];
	s28 =	sadd.s32 $0x80, s28  }
0xe3: {  	v1 =	vld [tilespmem:s29+$0xFFFFFFD0];
	p1 =	slt.u32 s28, $0x3F80  }
0xe4: {  	v2 =	vld [tilespmem:s29+$0xFFFFFFE0]  }
0xe5: {  	v3 =	vld [tilespmem:s29+$0xFFFFFFF0]  }
0xe6: {  	s26 =	sadd.s32 $0x200, s26;
	v4 =	vld [tilespmem:s29+$0x0]  }
0xe7: {  	[tilespmem:s26+$0x0] =	vst.add.f32.msk $0xffff, v0  }
0xe8: {  	v0 =	vld [tilespmem:s29+$0x10]  }
0xe9: {  	v5 =	vld [tilespmem:s29+$0x20]  }
0xea: {  	v6 =	vld [tilespmem:s29+$0xFFFFFFC0]  }
0xeb: {  	[tilespmem:s26+$0xFFFFFFA0] =	vst.add.f32.msk $0xffff, v1  }
0xec: {  	[tilespmem:s26+$0xFFFFFFB0] =	vst.add.f32.msk $0xffff, v2  }
.Ltmp14:
0xed: {  	[tilespmem:s26+$0xFFFFFFC0] =	vst.add.f32.msk $0xffff, v3;
	(pc) =	sbr.rel @p1 .LBB2_27-.Ltmp14, $4  }
0xee: {  	[tilespmem:s26+$0xFFFFFFD0] =	vst.add.f32.msk $0xffff, v4  }
0xef: {  	[tilespmem:s26+$0xFFFFFF90] =	vst.add.f32.msk $0xffff, v6  }
0xf0: {  	[tilespmem:s26+$0xFFFFFFE0] =	vst.add.f32.msk $0xffff, v0  }
0xf1: {  	s29 =	sadd.s32 $0x80, s29;
	[tilespmem:s26+$0xFFFFFFF0] =	vst.add.f32.msk $0xffff, v5  }
0xf2: {  	s25 =	sadd.s32 s3, s25;
	s26 =	simm.s32 $0x4180  }
0xf3: {  	s28 =	simm.s32 $0x10;
	s29 =	simm.s32 $0x4380;
	s0 =	sadd.s32 $0x0, s25  }
.LBB2_29:
0xf4: {  	[hbm4b:s0+s4] =	stream.linear.scatter [tilespmem:s26], [sflag:$0x8], $0x80, $0x38;
	[tilespmem:$0x14000] =	vst v63  }
0xf5: {  	s0 =	smov.u32 s28;
	s26 =	smov.u32 s29;
	p1 =	sne.s32 s28, $0x7F0  }
.Ltmp15:
0xf6: {  	s28 =	sadd.s32 $0x10, s28;
	(pc) =	sbr.rel @p1 .LBB2_29-.Ltmp15, $2  }
0xf7: {  	_ =	sdelay $0x2  }
0xf8: {  	s29 =	sadd.s32 $0x200, s29;
	s0 =	sadd.s32 s0, s25  }
.Ltmp16:
0xf9: {  	(pc) =	sbr.rel @p0 .LBB2_34-.Ltmp16, $4  }
0xfa: {  	[hbm4b:s0+s4] =	stream.linear.scatter [tilespmem:s26], [sflag:$0x8], $0x80, $0x38;
	[tilespmem:$0x14000] =	vst v63  }
0xfb: {  	_ =	swait.ge [sflag:s19], $0x4000  }
0xfc: {  	[sflag:s19] =	ssyncset.done $0x0  }
0xfd: {  	[sflag:s19] =	ssyncadd.s32 $0xFFFFC000  }
0xfe: {  	s0 =	sadd.s32 s10, s24  }
0xff: {  	s0 =	sshrl.u32 s0, $0x3  }
0x100: {  	s25 =	simm.s32 $0x4080;
	s24 =	sadd.s32 s1, s0  }
0x101: {  	s26 =	simm.s32 $0x10;
	s28 =	simm.s32 $0x4280;
	s0 =	sadd.s32 $0x0, s24  }
.LBB2_32:
0x102: {  	[tilespmem:s25], [sflag:$0x2] =	stream.linear.gather [hbm4b:s0+s4], $0x80, $0x38;
	[tilespmem:$0x14000] =	vst v63  }
0x103: {  	s0 =	smov.u32 s26;
	s25 =	smov.u32 s28;
	p0 =	sne.s32 s26, $0x7F0  }
.Ltmp17:
0x104: {  	s26 =	sadd.s32 $0x10, s26;
	(pc) =	sbr.rel @p0 .LBB2_32-.Ltmp17, $2  }
0x105: {  	_ =	sdelay $0x2  }
0x106: {  	s28 =	sadd.s32 $0x200, s28;
	s0 =	sadd.s32 s0, s24  }
.Ltmp18:
0x107: {  	(pc) =	sbr.rel .LBB2_6-.Ltmp18, $3  }
0x108: {  	_ =	sdelay $0x1  }
0x109: {  	[tilespmem:s25], [sflag:$0x2] =	stream.linear.gather [hbm4b:s0+s4], $0x80, $0x38;
	[tilespmem:$0x14000] =	vst v63  }
0x10a: {  	s23 =	sadd.s32 $0x1, s23  }
.LBB2_35:
0x10b: {  	_ =	sfence.sel $0x180000  }
0x10c: {  	[bflag:$0x0] =	sbarrier.arrive $0xFFFF  }
0x10d: {  	_ =	strace $0x90000047  }
0x10e: {  	[bflag:$0x2] =	sbarrier.arrive $0xFFFF  }
0x10f: {  	p0 =	sne.s32 s2, $0x0;
	s0 =	rddreg [dreg:$0x3]  }
0x110: {  	s0 =	sadd.s32 @!p0 $0x100000, s0  }
0x111: {  	[sflag:s0] =	ssyncadd.tile.s32 @!p0 $0x1;
	_ =	shalt  }
.Lfunc_end2:
_tile_overlayer_lowered:
.L_overlay_start_2:
0x112: {  	(tag) =	ssettag $0x2  }
0x113: {  	s0 =	rddreg [dreg:$0x0];
	s2 =	stileid.u32  }
0x114: {  	s1 =	rddreg [dreg:$0x1];
	p0 =	sne.s32 s2, $0x0  }
0x115: {  	s3 =	rddreg [dreg:$0x2];
	[bflag:$0x3] =	sbarrier.arrive $0xFFFF;
	s2 =	simm.s32 @!p0 $0x1C09  }
0x116: {  	[timem:s3], [sflag:s2] =	dma.local @!p0 [hbm:s0], s1  }
0x117: {  	s0 =	simm.s32 @!p0 $0x9  }
0x118: {  	_ =	swait.ge @!p0 [sflag:s0], s1  }
0x119: {  	s1 =	ssub.s32 @!p0 $0x0, s1;
	[sflag:s0] =	ssyncset.done @!p0 $0x0  }
0x11a: {  	[sflag:s0] =	ssyncadd.s32 @!p0 s1  }
0x11b: {  	[bflag:$0x3] =	sbarrier.arrive $0xFFFF  }
0x11c: {  	_ =	shalt  }

</sc_bundles>
